<compile_context>
chip_gen: v7x
topology: tpu7x:2x2x1
jax: 0.10.2.dev20260603
libtpu: 0.0.44.dev20260713+nightly
codegen_flags: <defaults>
</compile_context>

<pallas_src>
import functools

import jax
import jax.numpy as jnp
from jax import lax
from jax.experimental import pallas as pl
from jax.experimental.pallas import tpu as pltpu
import jax.experimental.pallas.tpu_sc as plsc

N = 10000
E = 320000
D = 128
DOUT = 64
G = 64
EPS = 1e-5

NC = 2
NS = 16
NW = NC * NS
K = 128
NBLK = -(-E // (K * NW))
EPAD = NBLK * K * NW
RPT = 624
TAIL = N - NS * RPT

BROW = 1000
GRID = N // BROW

_MESH = plsc.VectorSubcoreMesh(core_axis_name="c", subcore_axis_name="s")


@functools.partial(
    pl.kernel,
    out_type=[jax.ShapeDtypeStruct((N, D), jnp.float32),
              jax.ShapeDtypeStruct((N, D), jnp.float32)],
    mesh=_MESH,
    scratch_types=[pltpu.VMEM((K,), jnp.int32),
                   pltpu.VMEM((K, D), jnp.float32),
                   pltpu.VMEM_SHARED((N + 8, D), jnp.float32)],
)
def _sc_degree(dst_hbm, zeros_hbm, ones_hbm, out0, out1, idx_v, ones_v, acc_sh):
    cid = lax.axis_index("c")
    sid = lax.axis_index("s")
    pltpu.sync_copy(ones_hbm, ones_v)
    pltpu.sync_copy(zeros_hbm.at[pl.ds(0, RPT)], acc_sh.at[pl.ds(sid * RPT, RPT)])

    @pl.when(sid == NS - 1)
    def _():
        pltpu.sync_copy(zeros_hbm.at[pl.ds(0, TAIL)],
                        acc_sh.at[pl.ds(NS * RPT, TAIL)])

    plsc.subcore_barrier()
    row0 = (cid * NS + sid) * NBLK

    def body(j, carry):
        pltpu.sync_copy(dst_hbm.at[row0 + j], idx_v)
        pltpu.sync_copy(ones_v, acc_sh.at[idx_v], add=True)
        return carry

    lax.fori_loop(0, NBLK, body, 0)
    plsc.subcore_barrier()

    @pl.when(cid == 0)
    def _():
        pltpu.sync_copy(acc_sh.at[pl.ds(sid * RPT, RPT)],
                        out0.at[pl.ds(sid * RPT, RPT)])

        @pl.when(sid == NS - 1)
        def _():
            pltpu.sync_copy(acc_sh.at[pl.ds(NS * RPT, TAIL)],
                            out0.at[pl.ds(NS * RPT, TAIL)])

    @pl.when(cid == 1)
    def _():
        pltpu.sync_copy(acc_sh.at[pl.ds(sid * RPT, RPT)],
                        out1.at[pl.ds(sid * RPT, RPT)])

        @pl.when(sid == NS - 1)
        def _():
            pltpu.sync_copy(acc_sh.at[pl.ds(NS * RPT, TAIL)],
                            out1.at[pl.ds(NS * RPT, TAIL)])


@functools.partial(
    pl.kernel,
    out_type=[jax.ShapeDtypeStruct((N, D), jnp.float32),
              jax.ShapeDtypeStruct((N, D), jnp.float32)],
    mesh=_MESH,
    scratch_types=[pltpu.VMEM((K,), jnp.int32),
                   pltpu.VMEM((K,), jnp.int32),
                   pltpu.VMEM((K, D), jnp.float32),
                   pltpu.VMEM_SHARED((N + 8, D), jnp.float32),
                   pltpu.SemaphoreType.DMA],
)
def _sc_scatter(src_hbm, dst_hbm, h_hbm, zeros_hbm, out0, out1,
                si_v, di_v, rows_v, acc_sh, sem):
    cid = lax.axis_index("c")
    sid = lax.axis_index("s")
    pltpu.sync_copy(zeros_hbm.at[pl.ds(0, RPT)], acc_sh.at[pl.ds(sid * RPT, RPT)])

    @pl.when(sid == NS - 1)
    def _():
        pltpu.sync_copy(zeros_hbm.at[pl.ds(0, TAIL)],
                        acc_sh.at[pl.ds(NS * RPT, TAIL)])

    plsc.subcore_barrier()
    row0 = (cid * NS + sid) * NBLK

    def body(j, carry):
        pltpu.sync_copy(src_hbm.at[row0 + j], si_v)
        pltpu.sync_copy(dst_hbm.at[row0 + j], di_v)
        pltpu.async_copy(h_hbm.at[si_v], rows_v, sem).wait()
        pltpu.sync_copy(rows_v, acc_sh.at[di_v], add=True)
        return carry

    lax.fori_loop(0, NBLK, body, 0)
    plsc.subcore_barrier()

    @pl.when(cid == 0)
    def _():
        pltpu.sync_copy(acc_sh.at[pl.ds(sid * RPT, RPT)],
                        out0.at[pl.ds(sid * RPT, RPT)])

        @pl.when(sid == NS - 1)
        def _():
            pltpu.sync_copy(acc_sh.at[pl.ds(NS * RPT, TAIL)],
                            out0.at[pl.ds(NS * RPT, TAIL)])

    @pl.when(cid == 1)
    def _():
        pltpu.sync_copy(acc_sh.at[pl.ds(sid * RPT, RPT)],
                        out1.at[pl.ds(sid * RPT, RPT)])

        @pl.when(sid == NS - 1)
        def _():
            pltpu.sync_copy(acc_sh.at[pl.ds(NS * RPT, TAIL)],
                            out1.at[pl.ds(NS * RPT, TAIL)])


def _tc_prep_body(x_ref, w_ref, p0_ref, p1_ref, h_ref, dinv_ref):
    deg = 1.0 + p0_ref[:, 0:1] + p1_ref[:, 0:1]
    dinv = lax.rsqrt(deg)
    h = jnp.dot(x_ref[...], w_ref[...], preferred_element_type=jnp.float32)
    h_ref[...] = h * dinv
    dinv_ref[...] = dinv


_tc_prep = pl.pallas_call(
    _tc_prep_body,
    grid=(GRID,),
    in_specs=[pl.BlockSpec((BROW, D), lambda i: (i, 0)),
              pl.BlockSpec((D, D), lambda i: (0, 0)),
              pl.BlockSpec((BROW, D), lambda i: (i, 0)),
              pl.BlockSpec((BROW, D), lambda i: (i, 0))],
    out_specs=[pl.BlockSpec((BROW, D), lambda i: (i, 0)),
               pl.BlockSpec((BROW, 1), lambda i: (i, 0))],
    out_shape=[jax.ShapeDtypeStruct((N, D), jnp.float32),
               jax.ShapeDtypeStruct((N, 1), jnp.float32)],
)


def _tc_comb_body(a0_ref, a1_ref, hp_ref, dv_ref, b_ref, t_ref, s_ref):
    i = pl.program_id(0)
    t = dv_ref[...] * (a0_ref[...] + a1_ref[...] + hp_ref[...]) + b_ref[...]
    t_ref[...] = t

    @pl.when(i == 0)
    def _():
        s_ref[...] = jnp.zeros_like(s_ref)

    s_ref[0:1, :] += jnp.sum(t, axis=0, keepdims=True)
    s_ref[1:2, :] += jnp.sum(t * t, axis=0, keepdims=True)


_tc_comb = pl.pallas_call(
    _tc_comb_body,
    grid=(GRID,),
    in_specs=[pl.BlockSpec((BROW, D), lambda i: (i, 0)),
              pl.BlockSpec((BROW, D), lambda i: (i, 0)),
              pl.BlockSpec((BROW, D), lambda i: (i, 0)),
              pl.BlockSpec((BROW, 1), lambda i: (i, 0)),
              pl.BlockSpec((1, D), lambda i: (0, 0))],
    out_specs=[pl.BlockSpec((BROW, D), lambda i: (i, 0)),
               pl.BlockSpec((8, D), lambda i: (0, 0))],
    out_shape=[jax.ShapeDtypeStruct((N, D), jnp.float32),
               jax.ShapeDtypeStruct((8, D), jnp.float32)],
)


def _tc_apply_body(t_ref, s_ref, g_ref, be_ref, w_ref, dv_ref, o_ref):
    m = s_ref[0:1, :] * (1.0 / N)
    var = s_ref[1:2, :] * (1.0 / N) - m * m
    xn = (t_ref[...] - m) * lax.rsqrt(var + EPS) * g_ref[...] + be_ref[...]
    h = jnp.maximum(xn, 0.0)
    o_ref[...] = jnp.dot(h, w_ref[...], preferred_element_type=jnp.float32) * dv_ref[...]


_tc_apply = pl.pallas_call(
    _tc_apply_body,
    grid=(GRID,),
    in_specs=[pl.BlockSpec((BROW, D), lambda i: (i, 0)),
              pl.BlockSpec((8, D), lambda i: (0, 0)),
              pl.BlockSpec((1, D), lambda i: (0, 0)),
              pl.BlockSpec((1, D), lambda i: (0, 0)),
              pl.BlockSpec((D, D), lambda i: (0, 0)),
              pl.BlockSpec((BROW, 1), lambda i: (i, 0))],
    out_specs=pl.BlockSpec((BROW, D), lambda i: (i, 0)),
    out_shape=jax.ShapeDtypeStruct((N, D), jnp.float32),
)


def _tc_finish_body(t_ref, s_ref, g_ref, be_ref, b3_ref, wl_ref, bl_ref,
                    o_ref, pool_acc, cnt_acc):
    i = pl.program_id(0)
    m = s_ref[0:1, :] * (1.0 / N)
    var = s_ref[1:2, :] * (1.0 / N) - m * m
    h = jnp.maximum(
        (t_ref[...] - m) * lax.rsqrt(var + EPS) * g_ref[...] + be_ref[...], 0.0)
    ids = b3_ref[0, 0, :]
    oh = (ids[None, :] == lax.broadcasted_iota(jnp.int32, (G, BROW), 0)
          ).astype(jnp.float32)

    @pl.when(i == 0)
    def _():
        pool_acc[...] = jnp.zeros_like(pool_acc)
        cnt_acc[...] = jnp.zeros_like(cnt_acc)

    pool_acc[...] += jnp.dot(oh, h, preferred_element_type=jnp.float32)
    cnt_acc[...] = cnt_acc[...] + jnp.sum(oh, axis=1, keepdims=True)

    @pl.when(i == GRID - 1)
    def _():
        p = pool_acc[...] / jnp.maximum(cnt_acc[...], 1.0)
        o_ref[...] = jnp.dot(p, wl_ref[...], preferred_element_type=jnp.float32) + bl_ref[...]


_tc_finish = pl.pallas_call(
    _tc_finish_body,
    grid=(GRID,),
    in_specs=[pl.BlockSpec((BROW, D), lambda i: (i, 0)),
              pl.BlockSpec((8, D), lambda i: (0, 0)),
              pl.BlockSpec((1, D), lambda i: (0, 0)),
              pl.BlockSpec((1, D), lambda i: (0, 0)),
              pl.BlockSpec((1, 1, BROW), lambda i: (i, 0, 0)),
              pl.BlockSpec((D, DOUT), lambda i: (0, 0)),
              pl.BlockSpec((1, DOUT), lambda i: (0, 0))],
    out_specs=pl.BlockSpec((G, DOUT), lambda i: (0, 0)),
    out_shape=jax.ShapeDtypeStruct((G, DOUT), jnp.float32),
    scratch_shapes=[pltpu.VMEM((G, D), jnp.float32),
                    pltpu.VMEM((G, D), jnp.float32)],
)


def kernel(x, edge_index, batch, W1, b1, g1, be1, W2, b2, g2, be2, Wl, bl):
    pad = EPAD - E
    src = jnp.concatenate([edge_index[0], jnp.zeros((pad,), jnp.int32)])
    dst = jnp.concatenate([edge_index[1], jnp.full((pad,), N, jnp.int32)])
    src = src.reshape(NW * NBLK, K)
    dst = dst.reshape(NW * NBLK, K)
    z128 = jnp.zeros((RPT, D), jnp.float32)
    o128 = jnp.ones((K, D), jnp.float32)

    d0, d1 = _sc_degree(dst, z128, o128)
    h1p, dinv = _tc_prep(x, W1, d0, d1)
    a0, a1 = _sc_scatter(src, dst, h1p, z128)
    t1, s1 = _tc_comb(a0, a1, h1p, dinv, b1.reshape(1, D))
    h2p = _tc_apply(t1, s1, g1.reshape(1, D), be1.reshape(1, D), W2, dinv)
    c0, c1 = _sc_scatter(src, dst, h2p, z128)
    t2, s2 = _tc_comb(c0, c1, h2p, dinv, b2.reshape(1, D))
    return _tc_finish(t2, s2, g2.reshape(1, D), be2.reshape(1, D),
                      batch.reshape(GRID, 1, BROW), Wl, bl.reshape(1, DOUT))

# --- scband reference (transcript-rebuilt; emitter-appended) ---
"""Pipeline reference for scband-aslgcn-85212151153517 (READ-ONLY COPY).

The authoritative reference and input builder live on the scoring server;
editing this copy changes nothing except your own understanding.
"""

import jax, jax.numpy as jnp
import numpy as np

N = 10000
E = 320000
DIN = 128
DH = 128
DOUT = 64
G = 64
EPS = 1e-5


def setup_inputs(seed: int = 0) -> dict:
    key = jax.random.key(seed)
    ks = jax.random.split(key, 16)
    x = jax.random.normal(ks[0], (N, DIN), dtype=jnp.float32)
    edge_index = jax.random.randint(ks[1], (2, E), 0, N, dtype=jnp.int32)
    batch = jnp.sort(jax.random.randint(ks[2], (N,), 0, G, dtype=jnp.int32))
    # GCNConv1 params (PyG: weight [in, out], bias [out])
    W1 = jax.random.normal(ks[3], (DIN, DH), dtype=jnp.float32) * (1.0 / np.sqrt(DIN))
    b1 = jnp.zeros((DH,), dtype=jnp.float32)
    g1 = jnp.ones((DH,), dtype=jnp.float32)
    be1 = jnp.zeros((DH,), dtype=jnp.float32)
    # GCNConv2 params
    W2 = jax.random.normal(ks[4], (DH, DH), dtype=jnp.float32) * (1.0 / np.sqrt(DH))
    b2 = jnp.zeros((DH,), dtype=jnp.float32)
    g2 = jnp.ones((DH,), dtype=jnp.float32)
    be2 = jnp.zeros((DH,), dtype=jnp.float32)
    # Final linear
    Wl = jax.random.normal(ks[5], (DH, DOUT), dtype=jnp.float32) * (1.0 / np.sqrt(DH))
    bl = jnp.zeros((DOUT,), dtype=jnp.float32)
    return {"x": x, "edge_index": edge_index, "batch": batch,
            "W1": W1, "b1": b1, "g1": g1, "be1": be1,
            "W2": W2, "b2": b2, "g2": g2, "be2": be2,
            "Wl": Wl, "bl": bl}


def gcn_conv(x, edge_index, W, b):
    # GCNConv with added self-loops and symmetric normalization
    src = edge_index[0]
    dst = edge_index[1]
    loop = jnp.arange(N, dtype=src.dtype)
    src = jnp.concatenate([src, loop])
    dst = jnp.concatenate([dst, loop])
    deg = jnp.zeros((N,), dtype=x.dtype).at[dst].add(1.0)
    dinv = jnp.where(deg > 0, jax.lax.rsqrt(deg), 0.0)
    norm = dinv[src] * dinv[dst]
    h = x @ W
    msg = h[src] * norm[:, None]
    out = jax.ops.segment_sum(msg, dst, num_segments=N)
    return out + b


def batch_norm(x, gamma, beta):
    mean = jnp.mean(x, axis=0)
    var = jnp.var(x, axis=0)
    return (x - mean) * jax.lax.rsqrt(var + EPS) * gamma + beta


def global_mean_pool(x, batch):
    sums = jax.ops.segment_sum(x, batch, num_segments=G)
    cnts = jax.ops.segment_sum(jnp.ones((x.shape[0],), dtype=x.dtype), batch, num_segments=G)
    return sums / jnp.maximum(cnts, 1.0)[:, None]


def reference(x, edge_index, batch, W1, b1, g1, be1, W2, b2, g2, be2, Wl, bl):
    h = gcn_conv(x, edge_index, W1, b1)
    h = batch_norm(h, g1, be1)
    h = jax.nn.relu(h)
    # dropout is identity in eval mode
    h = gcn_conv(h, edge_index, W2, b2)
    h = batch_norm(h, g2, be2)
    h = jax.nn.relu(h)
    p = global_mean_pool(h, batch)
    return p @ Wl + bl

if __name__ == "__main__":
    import jax
    _d = setup_inputs()
    print(jax.jit(kernel)(*tuple(_d.values())))

</pallas_src>

<mosaic_0001>
#map = affine_map<(d0, d1) -> (0, 0)>
module attributes {stable_mosaic.version = 14 : i64} {
  func.func @_sc_degree(%arg0: i32, %arg1: i32, %arg2: memref<2528x128xi32, #tpu.memory_space<hbm>>, %arg3: memref<624x128xf32, #tpu.memory_space<hbm>>, %arg4: memref<128x128xf32, #tpu.memory_space<hbm>>, %arg5: memref<10000x128xf32, #tpu.memory_space<hbm>>, %arg6: memref<10000x128xf32, #tpu.memory_space<hbm>>, %arg7: memref<128xi32, #tpu.memory_space<vmem>>, %arg8: memref<128x128xf32, #tpu.memory_space<vmem>>, %arg9: memref<10008x128xf32, #tpu.memory_space<vmem_shared>>) attributes {dimension_semantics = [#tpu.dimension_semantics<core_parallel>, #tpu.dimension_semantics<subcore_parallel>], iteration_bounds = array<i64: 2, 16>, scalar_prefetch = 0 : i64, scratch_operands = 3 : i64, tpu.core_type = #tpu.core_type<sc_vector_subcore>, window_params = [{transform_indices = #map}, {transform_indices = #map}, {transform_indices = #map}, {transform_indices = #map}, {transform_indices = #map}]} {
    "tpu.region"() ({
      %run_scoped3A = tpu.sem_alloc : memref<!tpu.dma_semaphore, #tpu.memory_space<semaphore_mem>>
      tpu.enqueue_dma source(%arg4 : memref<128x128xf32, #tpu.memory_space<hbm>>) target(%arg8 : memref<128x128xf32, #tpu.memory_space<vmem>>) target_semaphore(%run_scoped3A : memref<!tpu.dma_semaphore, #tpu.memory_space<semaphore_mem>>)
      tpu.wait_dma2 semaphore(%run_scoped3A : memref<!tpu.dma_semaphore, #tpu.memory_space<semaphore_mem>>) src(%arg4 : memref<128x128xf32, #tpu.memory_space<hbm>>) dst(%arg8 : memref<128x128xf32, #tpu.memory_space<vmem>>)
      tpu.yield
    }) : () -> ()
    %mul3A = arith.constant 624 : i32
    %mul3A_0 = arith.muli %arg1, %mul3A : i32
    "tpu.region"() ({
      %run_scoped3A = tpu.sem_alloc : memref<!tpu.dma_semaphore, #tpu.memory_space<semaphore_mem>>
      %dma_start3A = arith.constant 0 : i32
      %dma_start3A_23 = tpu.memref_slice %arg9[%mul3A_0, %dma_start3A] : memref<10008x128xf32, #tpu.memory_space<vmem_shared>> -> memref<624x128xf32, #tpu.memory_space<vmem_shared>>
      %dma_start3A_24 = arith.constant 0 : i32
      %dma_start3A_25 = arith.constant 0 : i32
      %dma_start3A_26 = tpu.memref_slice %arg3[%dma_start3A_24, %dma_start3A_25] : memref<624x128xf32, #tpu.memory_space<hbm>> -> memref<624x128xf32, #tpu.memory_space<hbm>>
      tpu.enqueue_dma source(%dma_start3A_26 : memref<624x128xf32, #tpu.memory_space<hbm>>) target(%dma_start3A_23 : memref<624x128xf32, #tpu.memory_space<vmem_shared>>) target_semaphore(%run_scoped3A : memref<!tpu.dma_semaphore, #tpu.memory_space<semaphore_mem>>)
      %dma_wait3A = arith.constant 0 : i32
      %dma_wait3A_27 = tpu.memref_slice %arg9[%mul3A_0, %dma_wait3A] : memref<10008x128xf32, #tpu.memory_space<vmem_shared>> -> memref<624x128xf32, #tpu.memory_space<vmem_shared>>
      %dma_wait3A_28 = arith.constant 0 : i32
      %dma_wait3A_29 = arith.constant 0 : i32
      %dma_wait3A_30 = tpu.memref_slice %arg3[%dma_wait3A_28, %dma_wait3A_29] : memref<624x128xf32, #tpu.memory_space<hbm>> -> memref<624x128xf32, #tpu.memory_space<hbm>>
      tpu.wait_dma2 semaphore(%run_scoped3A : memref<!tpu.dma_semaphore, #tpu.memory_space<semaphore_mem>>) src(%dma_wait3A_30 : memref<624x128xf32, #tpu.memory_space<hbm>>) dst(%dma_wait3A_27 : memref<624x128xf32, #tpu.memory_space<vmem_shared>>)
      tpu.yield
    }) : () -> ()
    %eq3A = arith.constant 15 : i32
    %eq3A_1 = arith.cmpi eq, %arg1, %eq3A : i32
    %convert_element_type3A = arith.extui %eq3A_1 : i1 to i32
    %cond3A = arith.constant 0 : i32
    %cond3A_2 = arith.cmpi ne, %convert_element_type3A, %cond3A : i32
    scf.if %cond3A_2 {
      "tpu.region"() ({
        %run_scoped3A = tpu.sem_alloc : memref<!tpu.dma_semaphore, #tpu.memory_space<semaphore_mem>>
        %dma_start3A = arith.constant 9984 : i32
        %dma_start3A_23 = arith.constant 0 : i32
        %dma_start3A_24 = tpu.memref_slice %arg9[%dma_start3A, %dma_start3A_23] : memref<10008x128xf32, #tpu.memory_space<vmem_shared>> -> memref<16x128xf32, #tpu.memory_space<vmem_shared>>
        %dma_start3A_25 = arith.constant 0 : i32
        %dma_start3A_26 = arith.constant 0 : i32
        %dma_start3A_27 = tpu.memref_slice %arg3[%dma_start3A_25, %dma_start3A_26] : memref<624x128xf32, #tpu.memory_space<hbm>> -> memref<16x128xf32, #tpu.memory_space<hbm>>
        tpu.enqueue_dma source(%dma_start3A_27 : memref<16x128xf32, #tpu.memory_space<hbm>>) target(%dma_start3A_24 : memref<16x128xf32, #tpu.memory_space<vmem_shared>>) target_semaphore(%run_scoped3A : memref<!tpu.dma_semaphore, #tpu.memory_space<semaphore_mem>>)
        %dma_wait3A = arith.constant 9984 : i32
        %dma_wait3A_28 = arith.constant 0 : i32
        %dma_wait3A_29 = tpu.memref_slice %arg9[%dma_wait3A, %dma_wait3A_28] : memref<10008x128xf32, #tpu.memory_space<vmem_shared>> -> memref<16x128xf32, #tpu.memory_space<vmem_shared>>
        %dma_wait3A_30 = arith.constant 0 : i32
        %dma_wait3A_31 = arith.constant 0 : i32
        %dma_wait3A_32 = tpu.memref_slice %arg3[%dma_wait3A_30, %dma_wait3A_31] : memref<624x128xf32, #tpu.memory_space<hbm>> -> memref<16x128xf32, #tpu.memory_space<hbm>>
        tpu.wait_dma2 semaphore(%run_scoped3A : memref<!tpu.dma_semaphore, #tpu.memory_space<semaphore_mem>>) src(%dma_wait3A_32 : memref<16x128xf32, #tpu.memory_space<hbm>>) dst(%dma_wait3A_29 : memref<16x128xf32, #tpu.memory_space<vmem_shared>>)
        tpu.yield
      }) : () -> ()
    } else {
    }
    %barrier3A = arith.constant 0 : index
    tpu.barrier barrier_id(%barrier3A)
    %mul3A_3 = arith.constant 16 : i32
    %mul3A_4 = arith.muli %arg0, %mul3A_3 : i32
    %add3A = arith.addi %mul3A_4, %arg1 : i32
    %mul3A_5 = arith.constant 79 : i32
    %mul3A_6 = arith.muli %add3A, %mul3A_5 : i32
    %scan3A = arith.constant 0 : i32
    %scan3A_7 = arith.constant 0 : i32
    %scan3A_8 = arith.constant 79 : i32
    %scan3A_9 = arith.addi %scan3A_7, %scan3A_8 : i32
    %scan3A_10 = arith.constant 1 : i32
    scf.for %scan3A_23 = %scan3A_7 to %scan3A_9 step %scan3A_10  : i32 {
      %add3A_24 = arith.addi %mul3A_6, %scan3A_23 : i32
      "tpu.region"() ({
        %run_scoped3A = tpu.sem_alloc : memref<!tpu.dma_semaphore, #tpu.memory_space<semaphore_mem>>
        %dma_start3A = arith.constant 0 : i32
        %dma_start3A_25 = tpu.memref_slice %arg2[%add3A_24, %dma_start3A] : memref<2528x128xi32, #tpu.memory_space<hbm>> -> memref<1x128xi32, #tpu.memory_space<hbm>>
        %dma_start3A_26 = tpu.memref_squeeze %dma_start3A_25 : memref<1x128xi32, #tpu.memory_space<hbm>> -> memref<128xi32, #tpu.memory_space<hbm>>
        %dma_start3A_27 = arith.constant 0 : i32
        %dma_start3A_28 = tpu.memref_slice %arg2[%add3A_24, %dma_start3A_27] : memref<2528x128xi32, #tpu.memory_space<hbm>> -> memref<1x128xi32, #tpu.memory_space<hbm>>
        %dma_start3A_29 = tpu.memref_squeeze %dma_start3A_28 : memref<1x128xi32, #tpu.memory_space<hbm>> -> memref<128xi32, #tpu.memory_space<hbm>>
        tpu.enqueue_dma source(%dma_start3A_29 : memref<128xi32, #tpu.memory_space<hbm>>) target(%arg7 : memref<128xi32, #tpu.memory_space<vmem>>) target_semaphore(%run_scoped3A : memref<!tpu.dma_semaphore, #tpu.memory_space<semaphore_mem>>)
        %dma_wait3A = arith.constant 0 : i32
        %dma_wait3A_30 = tpu.memref_slice %arg2[%add3A_24, %dma_wait3A] : memref<2528x128xi32, #tpu.memory_space<hbm>> -> memref<1x128xi32, #tpu.memory_space<hbm>>
        %dma_wait3A_31 = tpu.memref_squeeze %dma_wait3A_30 : memref<1x128xi32, #tpu.memory_space<hbm>> -> memref<128xi32, #tpu.memory_space<hbm>>
        %dma_wait3A_32 = arith.constant 0 : i32
        %dma_wait3A_33 = tpu.memref_slice %arg2[%add3A_24, %dma_wait3A_32] : memref<2528x128xi32, #tpu.memory_space<hbm>> -> memref<1x128xi32, #tpu.memory_space<hbm>>
        %dma_wait3A_34 = tpu.memref_squeeze %dma_wait3A_33 : memref<1x128xi32, #tpu.memory_space<hbm>> -> memref<128xi32, #tpu.memory_space<hbm>>
        tpu.wait_dma2 semaphore(%run_scoped3A : memref<!tpu.dma_semaphore, #tpu.memory_space<semaphore_mem>>) src(%dma_wait3A_34 : memref<128xi32, #tpu.memory_space<hbm>>) dst(%arg7 : memref<128xi32, #tpu.memory_space<vmem>>)
        tpu.yield
      }) : () -> ()
      "tpu.region"() ({
        %run_scoped3A = tpu.sem_alloc : memref<!tpu.dma_semaphore, #tpu.memory_space<semaphore_mem>>
        %dma_start3A = arith.constant 0 : i32
        %dma_start3A_25 = arith.constant 0 : i32
        %dma_start3A_26 = tpu.memref_slice %arg9[%dma_start3A, %dma_start3A_25] : memref<10008x128xf32, #tpu.memory_space<vmem_shared>> -> memref<10008x128xf32, #tpu.memory_space<vmem_shared>>
        tpu.enqueue_indirect_dma source(%arg8 : memref<128x128xf32, #tpu.memory_space<vmem>>) target(%dma_start3A_26 : memref<10008x128xf32, #tpu.memory_space<vmem_shared>>) offsets(%arg7 : memref<128xi32, #tpu.memory_space<vmem>>) semaphore(%run_scoped3A : memref<!tpu.dma_semaphore, #tpu.memory_space<semaphore_mem>>) {add = true}
        %dma_wait3A = arith.constant 0 : i32
        %dma_wait3A_27 = arith.constant 0 : i32
        %dma_wait3A_28 = tpu.memref_slice %arg9[%dma_wait3A, %dma_wait3A_27] : memref<10008x128xf32, #tpu.memory_space<vmem_shared>> -> memref<10008x128xf32, #tpu.memory_space<vmem_shared>>
        tpu.wait_indirect_dma semaphore(%run_scoped3A : memref<!tpu.dma_semaphore, #tpu.memory_space<semaphore_mem>>) src(%arg8 : memref<128x128xf32, #tpu.memory_space<vmem>>) dst(%dma_wait3A_28 : memref<10008x128xf32, #tpu.memory_space<vmem_shared>>)
        tpu.yield
      }) : () -> ()
    }
    %scan3A_11 = arith.constant 79 : i32
    %barrier3A_12 = arith.constant 0 : index
    tpu.barrier barrier_id(%barrier3A_12)
    %eq3A_13 = arith.constant 0 : i32
    %eq3A_14 = arith.cmpi eq, %arg0, %eq3A_13 : i32
    %convert_element_type3A_15 = arith.extui %eq3A_14 : i1 to i32
    %cond3A_16 = arith.constant 0 : i32
    %cond3A_17 = arith.cmpi ne, %convert_element_type3A_15, %cond3A_16 : i32
    scf.if %cond3A_17 {
      %mul3A_23 = arith.constant 624 : i32
      %mul3A_24 = arith.muli %arg1, %mul3A_23 : i32
      %mul3A_25 = arith.constant 624 : i32
      %mul3A_26 = arith.muli %arg1, %mul3A_25 : i32
      "tpu.region"() ({
        %run_scoped3A = tpu.sem_alloc : memref<!tpu.dma_semaphore, #tpu.memory_space<semaphore_mem>>
        %dma_start3A = arith.constant 0 : i32
        %dma_start3A_32 = tpu.memref_slice %arg5[%mul3A_26, %dma_start3A] : memref<10000x128xf32, #tpu.memory_space<hbm>> -> memref<624x128xf32, #tpu.memory_space<hbm>>
        %dma_start3A_33 = arith.constant 0 : i32
        %dma_start3A_34 = tpu.memref_slice %arg9[%mul3A_24, %dma_start3A_33] : memref<10008x128xf32, #tpu.memory_space<vmem_shared>> -> memref<624x128xf32, #tpu.memory_space<vmem_shared>>
        tpu.enqueue_dma source(%dma_start3A_34 : memref<624x128xf32, #tpu.memory_space<vmem_shared>>) target(%dma_start3A_32 : memref<624x128xf32, #tpu.memory_space<hbm>>) target_semaphore(%run_scoped3A : memref<!tpu.dma_semaphore, #tpu.memory_space<semaphore_mem>>)
        %dma_wait3A = arith.constant 0 : i32
        %dma_wait3A_35 = tpu.memref_slice %arg5[%mul3A_26, %dma_wait3A] : memref<10000x128xf32, #tpu.memory_space<hbm>> -> memref<624x128xf32, #tpu.memory_space<hbm>>
        %dma_wait3A_36 = arith.constant 0 : i32
        %dma_wait3A_37 = tpu.memref_slice %arg9[%mul3A_24, %dma_wait3A_36] : memref<10008x128xf32, #tpu.memory_space<vmem_shared>> -> memref<624x128xf32, #tpu.memory_space<vmem_shared>>
        tpu.wait_dma2 semaphore(%run_scoped3A : memref<!tpu.dma_semaphore, #tpu.memory_space<semaphore_mem>>) src(%dma_wait3A_37 : memref<624x128xf32, #tpu.memory_space<vmem_shared>>) dst(%dma_wait3A_35 : memref<624x128xf32, #tpu.memory_space<hbm>>)
        tpu.yield
      }) : () -> ()
      %eq3A_27 = arith.constant 15 : i32
      %eq3A_28 = arith.cmpi eq, %arg1, %eq3A_27 : i32
      %convert_element_type3A_29 = arith.extui %eq3A_28 : i1 to i32
      %cond3A_30 = arith.constant 0 : i32
      %cond3A_31 = arith.cmpi ne, %convert_element_type3A_29, %cond3A_30 : i32
      scf.if %cond3A_31 {
        "tpu.region"() ({
          %run_scoped3A = tpu.sem_alloc : memref<!tpu.dma_semaphore, #tpu.memory_space<semaphore_mem>>
          %dma_start3A = arith.constant 9984 : i32
          %dma_start3A_32 = arith.constant 0 : i32
          %dma_start3A_33 = tpu.memref_slice %arg5[%dma_start3A, %dma_start3A_32] : memref<10000x128xf32, #tpu.memory_space<hbm>> -> memref<16x128xf32, #tpu.memory_space<hbm>>
          %dma_start3A_34 = arith.constant 9984 : i32
          %dma_start3A_35 = arith.constant 0 : i32
          %dma_start3A_36 = tpu.memref_slice %arg9[%dma_start3A_34, %dma_start3A_35] : memref<10008x128xf32, #tpu.memory_space<vmem_shared>> -> memref<16x128xf32, #tpu.memory_space<vmem_shared>>
          tpu.enqueue_dma source(%dma_start3A_36 : memref<16x128xf32, #tpu.memory_space<vmem_shared>>) target(%dma_start3A_33 : memref<16x128xf32, #tpu.memory_space<hbm>>) target_semaphore(%run_scoped3A : memref<!tpu.dma_semaphore, #tpu.memory_space<semaphore_mem>>)
          %dma_wait3A = arith.constant 9984 : i32
          %dma_wait3A_37 = arith.constant 0 : i32
          %dma_wait3A_38 = tpu.memref_slice %arg5[%dma_wait3A, %dma_wait3A_37] : memref<10000x128xf32, #tpu.memory_space<hbm>> -> memref<16x128xf32, #tpu.memory_space<hbm>>
          %dma_wait3A_39 = arith.constant 9984 : i32
          %dma_wait3A_40 = arith.constant 0 : i32
          %dma_wait3A_41 = tpu.memref_slice %arg9[%dma_wait3A_39, %dma_wait3A_40] : memref<10008x128xf32, #tpu.memory_space<vmem_shared>> -> memref<16x128xf32, #tpu.memory_space<vmem_shared>>
          tpu.wait_dma2 semaphore(%run_scoped3A : memref<!tpu.dma_semaphore, #tpu.memory_space<semaphore_mem>>) src(%dma_wait3A_41 : memref<16x128xf32, #tpu.memory_space<vmem_shared>>) dst(%dma_wait3A_38 : memref<16x128xf32, #tpu.memory_space<hbm>>)
          tpu.yield
        }) : () -> ()
      } else {
      }
    } else {
    }
    %eq3A_18 = arith.constant 1 : i32
    %eq3A_19 = arith.cmpi eq, %arg0, %eq3A_18 : i32
    %convert_element_type3A_20 = arith.extui %eq3A_19 : i1 to i32
    %cond3A_21 = arith.constant 0 : i32
    %cond3A_22 = arith.cmpi ne, %convert_element_type3A_20, %cond3A_21 : i32
    scf.if %cond3A_22 {
      %mul3A_23 = arith.constant 624 : i32
      %mul3A_24 = arith.muli %arg1, %mul3A_23 : i32
      %mul3A_25 = arith.constant 624 : i32
      %mul3A_26 = arith.muli %arg1, %mul3A_25 : i32
      "tpu.region"() ({
        %run_scoped3A = tpu.sem_alloc : memref<!tpu.dma_semaphore, #tpu.memory_space<semaphore_mem>>
        %dma_start3A = arith.constant 0 : i32
        %dma_start3A_32 = tpu.memref_slice %arg6[%mul3A_26, %dma_start3A] : memref<10000x128xf32, #tpu.memory_space<hbm>> -> memref<624x128xf32, #tpu.memory_space<hbm>>
        %dma_start3A_33 = arith.constant 0 : i32
        %dma_start3A_34 = tpu.memref_slice %arg9[%mul3A_24, %dma_start3A_33] : memref<10008x128xf32, #tpu.memory_space<vmem_shared>> -> memref<624x128xf32, #tpu.memory_space<vmem_shared>>
        tpu.enqueue_dma source(%dma_start3A_34 : memref<624x128xf32, #tpu.memory_space<vmem_shared>>) target(%dma_start3A_32 : memref<624x128xf32, #tpu.memory_space<hbm>>) target_semaphore(%run_scoped3A : memref<!tpu.dma_semaphore, #tpu.memory_space<semaphore_mem>>)
        %dma_wait3A = arith.constant 0 : i32
        %dma_wait3A_35 = tpu.memref_slice %arg6[%mul3A_26, %dma_wait3A] : memref<10000x128xf32, #tpu.memory_space<hbm>> -> memref<624x128xf32, #tpu.memory_space<hbm>>
        %dma_wait3A_36 = arith.constant 0 : i32
        %dma_wait3A_37 = tpu.memref_slice %arg9[%mul3A_24, %dma_wait3A_36] : memref<10008x128xf32, #tpu.memory_space<vmem_shared>> -> memref<624x128xf32, #tpu.memory_space<vmem_shared>>
        tpu.wait_dma2 semaphore(%run_scoped3A : memref<!tpu.dma_semaphore, #tpu.memory_space<semaphore_mem>>) src(%dma_wait3A_37 : memref<624x128xf32, #tpu.memory_space<vmem_shared>>) dst(%dma_wait3A_35 : memref<624x128xf32, #tpu.memory_space<hbm>>)
        tpu.yield
      }) : () -> ()
      %eq3A_27 = arith.constant 15 : i32
      %eq3A_28 = arith.cmpi eq, %arg1, %eq3A_27 : i32
      %convert_element_type3A_29 = arith.extui %eq3A_28 : i1 to i32
      %cond3A_30 = arith.constant 0 : i32
      %cond3A_31 = arith.cmpi ne, %convert_element_type3A_29, %cond3A_30 : i32
      scf.if %cond3A_31 {
        "tpu.region"() ({
          %run_scoped3A = tpu.sem_alloc : memref<!tpu.dma_semaphore, #tpu.memory_space<semaphore_mem>>
          %dma_start3A = arith.constant 9984 : i32
          %dma_start3A_32 = arith.constant 0 : i32
          %dma_start3A_33 = tpu.memref_slice %arg6[%dma_start3A, %dma_start3A_32] : memref<10000x128xf32, #tpu.memory_space<hbm>> -> memref<16x128xf32, #tpu.memory_space<hbm>>
          %dma_start3A_34 = arith.constant 9984 : i32
          %dma_start3A_35 = arith.constant 0 : i32
          %dma_start3A_36 = tpu.memref_slice %arg9[%dma_start3A_34, %dma_start3A_35] : memref<10008x128xf32, #tpu.memory_space<vmem_shared>> -> memref<16x128xf32, #tpu.memory_space<vmem_shared>>
          tpu.enqueue_dma source(%dma_start3A_36 : memref<16x128xf32, #tpu.memory_space<vmem_shared>>) target(%dma_start3A_33 : memref<16x128xf32, #tpu.memory_space<hbm>>) target_semaphore(%run_scoped3A : memref<!tpu.dma_semaphore, #tpu.memory_space<semaphore_mem>>)
          %dma_wait3A = arith.constant 9984 : i32
          %dma_wait3A_37 = arith.constant 0 : i32
          %dma_wait3A_38 = tpu.memref_slice %arg6[%dma_wait3A, %dma_wait3A_37] : memref<10000x128xf32, #tpu.memory_space<hbm>> -> memref<16x128xf32, #tpu.memory_space<hbm>>
          %dma_wait3A_39 = arith.constant 9984 : i32
          %dma_wait3A_40 = arith.constant 0 : i32
          %dma_wait3A_41 = tpu.memref_slice %arg9[%dma_wait3A_39, %dma_wait3A_40] : memref<10008x128xf32, #tpu.memory_space<vmem_shared>> -> memref<16x128xf32, #tpu.memory_space<vmem_shared>>
          tpu.wait_dma2 semaphore(%run_scoped3A : memref<!tpu.dma_semaphore, #tpu.memory_space<semaphore_mem>>) src(%dma_wait3A_41 : memref<16x128xf32, #tpu.memory_space<vmem_shared>>) dst(%dma_wait3A_38 : memref<16x128xf32, #tpu.memory_space<hbm>>)
          tpu.yield
        }) : () -> ()
      } else {
      }
    } else {
    }
    return
  }
}

#map = affine_map<(d0, d1) -> (0, 0)>
module attributes {stable_mosaic.version = 14 : i64} {
  func.func @_sc_scatter(%arg0: i32, %arg1: i32, %arg2: memref<2528x128xi32, #tpu.memory_space<hbm>>, %arg3: memref<2528x128xi32, #tpu.memory_space<hbm>>, %arg4: memref<10000x128xf32, #tpu.memory_space<hbm>>, %arg5: memref<624x128xf32, #tpu.memory_space<hbm>>, %arg6: memref<10000x128xf32, #tpu.memory_space<hbm>>, %arg7: memref<10000x128xf32, #tpu.memory_space<hbm>>, %arg8: memref<128xi32, #tpu.memory_space<vmem>>, %arg9: memref<128xi32, #tpu.memory_space<vmem>>, %arg10: memref<128x128xf32, #tpu.memory_space<vmem>>, %arg11: memref<10008x128xf32, #tpu.memory_space<vmem_shared>>, %arg12: memref<!tpu.dma_semaphore, #tpu.memory_space<semaphore_mem>>) attributes {dimension_semantics = [#tpu.dimension_semantics<core_parallel>, #tpu.dimension_semantics<subcore_parallel>], iteration_bounds = array<i64: 2, 16>, scalar_prefetch = 0 : i64, scratch_operands = 5 : i64, tpu.core_type = #tpu.core_type<sc_vector_subcore>, window_params = [{transform_indices = #map}, {transform_indices = #map}, {transform_indices = #map}, {transform_indices = #map}, {transform_indices = #map}, {transform_indices = #map}]} {
    %mul3A = arith.constant 624 : i32
    %mul3A_0 = arith.muli %arg1, %mul3A : i32
    "tpu.region"() ({
      %run_scoped3A = tpu.sem_alloc : memref<!tpu.dma_semaphore, #tpu.memory_space<semaphore_mem>>
      %dma_start3A = arith.constant 0 : i32
      %dma_start3A_23 = tpu.memref_slice %arg11[%mul3A_0, %dma_start3A] : memref<10008x128xf32, #tpu.memory_space<vmem_shared>> -> memref<624x128xf32, #tpu.memory_space<vmem_shared>>
      %dma_start3A_24 = arith.constant 0 : i32
      %dma_start3A_25 = arith.constant 0 : i32
      %dma_start3A_26 = tpu.memref_slice %arg5[%dma_start3A_24, %dma_start3A_25] : memref<624x128xf32, #tpu.memory_space<hbm>> -> memref<624x128xf32, #tpu.memory_space<hbm>>
      tpu.enqueue_dma source(%dma_start3A_26 : memref<624x128xf32, #tpu.memory_space<hbm>>) target(%dma_start3A_23 : memref<624x128xf32, #tpu.memory_space<vmem_shared>>) target_semaphore(%run_scoped3A : memref<!tpu.dma_semaphore, #tpu.memory_space<semaphore_mem>>)
      %dma_wait3A = arith.constant 0 : i32
      %dma_wait3A_27 = tpu.memref_slice %arg11[%mul3A_0, %dma_wait3A] : memref<10008x128xf32, #tpu.memory_space<vmem_shared>> -> memref<624x128xf32, #tpu.memory_space<vmem_shared>>
      %dma_wait3A_28 = arith.constant 0 : i32
      %dma_wait3A_29 = arith.constant 0 : i32
      %dma_wait3A_30 = tpu.memref_slice %arg5[%dma_wait3A_28, %dma_wait3A_29] : memref<624x128xf32, #tpu.memory_space<hbm>> -> memref<624x128xf32, #tpu.memory_space<hbm>>
      tpu.wait_dma2 semaphore(%run_scoped3A : memref<!tpu.dma_semaphore, #tpu.memory_space<semaphore_mem>>) src(%dma_wait3A_30 : memref<624x128xf32, #tpu.memory_space<hbm>>) dst(%dma_wait3A_27 : memref<624x128xf32, #tpu.memory_space<vmem_shared>>)
      tpu.yield
    }) : () -> ()
    %eq3A = arith.constant 15 : i32
    %eq3A_1 = arith.cmpi eq, %arg1, %eq3A : i32
    %convert_element_type3A = arith.extui %eq3A_1 : i1 to i32
    %cond3A = arith.constant 0 : i32
    %cond3A_2 = arith.cmpi ne, %convert_element_type3A, %cond3A : i32
    scf.if %cond3A_2 {
      "tpu.region"() ({
        %run_scoped3A = tpu.sem_alloc : memref<!tpu.dma_semaphore, #tpu.memory_space<semaphore_mem>>
        %dma_start3A = arith.constant 9984 : i32
        %dma_start3A_23 = arith.constant 0 : i32
        %dma_start3A_24 = tpu.memref_slice %arg11[%dma_start3A, %dma_start3A_23] : memref<10008x128xf32, #tpu.memory_space<vmem_shared>> -> memref<16x128xf32, #tpu.memory_space<vmem_shared>>
        %dma_start3A_25 = arith.constant 0 : i32
        %dma_start3A_26 = arith.constant 0 : i32
        %dma_start3A_27 = tpu.memref_slice %arg5[%dma_start3A_25, %dma_start3A_26] : memref<624x128xf32, #tpu.memory_space<hbm>> -> memref<16x128xf32, #tpu.memory_space<hbm>>
        tpu.enqueue_dma source(%dma_start3A_27 : memref<16x128xf32, #tpu.memory_space<hbm>>) target(%dma_start3A_24 : memref<16x128xf32, #tpu.memory_space<vmem_shared>>) target_semaphore(%run_scoped3A : memref<!tpu.dma_semaphore, #tpu.memory_space<semaphore_mem>>)
        %dma_wait3A = arith.constant 9984 : i32
        %dma_wait3A_28 = arith.constant 0 : i32
        %dma_wait3A_29 = tpu.memref_slice %arg11[%dma_wait3A, %dma_wait3A_28] : memref<10008x128xf32, #tpu.memory_space<vmem_shared>> -> memref<16x128xf32, #tpu.memory_space<vmem_shared>>
        %dma_wait3A_30 = arith.constant 0 : i32
        %dma_wait3A_31 = arith.constant 0 : i32
        %dma_wait3A_32 = tpu.memref_slice %arg5[%dma_wait3A_30, %dma_wait3A_31] : memref<624x128xf32, #tpu.memory_space<hbm>> -> memref<16x128xf32, #tpu.memory_space<hbm>>
        tpu.wait_dma2 semaphore(%run_scoped3A : memref<!tpu.dma_semaphore, #tpu.memory_space<semaphore_mem>>) src(%dma_wait3A_32 : memref<16x128xf32, #tpu.memory_space<hbm>>) dst(%dma_wait3A_29 : memref<16x128xf32, #tpu.memory_space<vmem_shared>>)
        tpu.yield
      }) : () -> ()
    } else {
    }
    %barrier3A = arith.constant 0 : index
    tpu.barrier barrier_id(%barrier3A)
    %mul3A_3 = arith.constant 16 : i32
    %mul3A_4 = arith.muli %arg0, %mul3A_3 : i32
    %add3A = arith.addi %mul3A_4, %arg1 : i32
    %mul3A_5 = arith.constant 79 : i32
    %mul3A_6 = arith.muli %add3A, %mul3A_5 : i32
    %scan3A = arith.constant 0 : i32
    %scan3A_7 = arith.constant 0 : i32
    %scan3A_8 = arith.constant 79 : i32
    %scan3A_9 = arith.addi %scan3A_7, %scan3A_8 : i32
    %scan3A_10 = arith.constant 1 : i32
    scf.for %scan3A_23 = %scan3A_7 to %scan3A_9 step %scan3A_10  : i32 {
      %add3A_24 = arith.addi %mul3A_6, %scan3A_23 : i32
      "tpu.region"() ({
        %run_scoped3A = tpu.sem_alloc : memref<!tpu.dma_semaphore, #tpu.memory_space<semaphore_mem>>
        %dma_start3A_30 = arith.constant 0 : i32
        %dma_start3A_31 = tpu.memref_slice %arg2[%add3A_24, %dma_start3A_30] : memref<2528x128xi32, #tpu.memory_space<hbm>> -> memref<1x128xi32, #tpu.memory_space<hbm>>
        %dma_start3A_32 = tpu.memref_squeeze %dma_start3A_31 : memref<1x128xi32, #tpu.memory_space<hbm>> -> memref<128xi32, #tpu.memory_space<hbm>>
        %dma_start3A_33 = arith.constant 0 : i32
        %dma_start3A_34 = tpu.memref_slice %arg2[%add3A_24, %dma_start3A_33] : memref<2528x128xi32, #tpu.memory_space<hbm>> -> memref<1x128xi32, #tpu.memory_space<hbm>>
        %dma_start3A_35 = tpu.memref_squeeze %dma_start3A_34 : memref<1x128xi32, #tpu.memory_space<hbm>> -> memref<128xi32, #tpu.memory_space<hbm>>
        tpu.enqueue_dma source(%dma_start3A_35 : memref<128xi32, #tpu.memory_space<hbm>>) target(%arg8 : memref<128xi32, #tpu.memory_space<vmem>>) target_semaphore(%run_scoped3A : memref<!tpu.dma_semaphore, #tpu.memory_space<semaphore_mem>>)
        %dma_wait3A_36 = arith.constant 0 : i32
        %dma_wait3A_37 = tpu.memref_slice %arg2[%add3A_24, %dma_wait3A_36] : memref<2528x128xi32, #tpu.memory_space<hbm>> -> memref<1x128xi32, #tpu.memory_space<hbm>>
        %dma_wait3A_38 = tpu.memref_squeeze %dma_wait3A_37 : memref<1x128xi32, #tpu.memory_space<hbm>> -> memref<128xi32, #tpu.memory_space<hbm>>
        %dma_wait3A_39 = arith.constant 0 : i32
        %dma_wait3A_40 = tpu.memref_slice %arg2[%add3A_24, %dma_wait3A_39] : memref<2528x128xi32, #tpu.memory_space<hbm>> -> memref<1x128xi32, #tpu.memory_space<hbm>>
        %dma_wait3A_41 = tpu.memref_squeeze %dma_wait3A_40 : memref<1x128xi32, #tpu.memory_space<hbm>> -> memref<128xi32, #tpu.memory_space<hbm>>
        tpu.wait_dma2 semaphore(%run_scoped3A : memref<!tpu.dma_semaphore, #tpu.memory_space<semaphore_mem>>) src(%dma_wait3A_41 : memref<128xi32, #tpu.memory_space<hbm>>) dst(%arg8 : memref<128xi32, #tpu.memory_space<vmem>>)
        tpu.yield
      }) : () -> ()
      %add3A_25 = arith.addi %mul3A_6, %scan3A_23 : i32
      "tpu.region"() ({
        %run_scoped3A = tpu.sem_alloc : memref<!tpu.dma_semaphore, #tpu.memory_space<semaphore_mem>>
        %dma_start3A_30 = arith.constant 0 : i32
        %dma_start3A_31 = tpu.memref_slice %arg3[%add3A_25, %dma_start3A_30] : memref<2528x128xi32, #tpu.memory_space<hbm>> -> memref<1x128xi32, #tpu.memory_space<hbm>>
        %dma_start3A_32 = tpu.memref_squeeze %dma_start3A_31 : memref<1x128xi32, #tpu.memory_space<hbm>> -> memref<128xi32, #tpu.memory_space<hbm>>
        %dma_start3A_33 = arith.constant 0 : i32
        %dma_start3A_34 = tpu.memref_slice %arg3[%add3A_25, %dma_start3A_33] : memref<2528x128xi32, #tpu.memory_space<hbm>> -> memref<1x128xi32, #tpu.memory_space<hbm>>
        %dma_start3A_35 = tpu.memref_squeeze %dma_start3A_34 : memref<1x128xi32, #tpu.memory_space<hbm>> -> memref<128xi32, #tpu.memory_space<hbm>>
        tpu.enqueue_dma source(%dma_start3A_35 : memref<128xi32, #tpu.memory_space<hbm>>) target(%arg9 : memref<128xi32, #tpu.memory_space<vmem>>) target_semaphore(%run_scoped3A : memref<!tpu.dma_semaphore, #tpu.memory_space<semaphore_mem>>)
        %dma_wait3A_36 = arith.constant 0 : i32
        %dma_wait3A_37 = tpu.memref_slice %arg3[%add3A_25, %dma_wait3A_36] : memref<2528x128xi32, #tpu.memory_space<hbm>> -> memref<1x128xi32, #tpu.memory_space<hbm>>
        %dma_wait3A_38 = tpu.memref_squeeze %dma_wait3A_37 : memref<1x128xi32, #tpu.memory_space<hbm>> -> memref<128xi32, #tpu.memory_space<hbm>>
        %dma_wait3A_39 = arith.constant 0 : i32
        %dma_wait3A_40 = tpu.memref_slice %arg3[%add3A_25, %dma_wait3A_39] : memref<2528x128xi32, #tpu.memory_space<hbm>> -> memref<1x128xi32, #tpu.memory_space<hbm>>
        %dma_wait3A_41 = tpu.memref_squeeze %dma_wait3A_40 : memref<1x128xi32, #tpu.memory_space<hbm>> -> memref<128xi32, #tpu.memory_space<hbm>>
        tpu.wait_dma2 semaphore(%run_scoped3A : memref<!tpu.dma_semaphore, #tpu.memory_space<semaphore_mem>>) src(%dma_wait3A_41 : memref<128xi32, #tpu.memory_space<hbm>>) dst(%arg9 : memref<128xi32, #tpu.memory_space<vmem>>)
        tpu.yield
      }) : () -> ()
      %dma_start3A = arith.constant 0 : i32
      %dma_start3A_26 = arith.constant 0 : i32
      %dma_start3A_27 = tpu.memref_slice %arg4[%dma_start3A, %dma_start3A_26] : memref<10000x128xf32, #tpu.memory_space<hbm>> -> memref<10000x128xf32, #tpu.memory_space<hbm>>
      tpu.enqueue_indirect_dma source(%dma_start3A_27 : memref<10000x128xf32, #tpu.memory_space<hbm>>) target(%arg10 : memref<128x128xf32, #tpu.memory_space<vmem>>) offsets(%arg8 : memref<128xi32, #tpu.memory_space<vmem>>) semaphore(%arg12 : memref<!tpu.dma_semaphore, #tpu.memory_space<semaphore_mem>>)
      %dma_wait3A = arith.constant 0 : i32
      %dma_wait3A_28 = arith.constant 0 : i32
      %dma_wait3A_29 = tpu.memref_slice %arg4[%dma_wait3A, %dma_wait3A_28] : memref<10000x128xf32, #tpu.memory_space<hbm>> -> memref<10000x128xf32, #tpu.memory_space<hbm>>
      tpu.wait_indirect_dma semaphore(%arg12 : memref<!tpu.dma_semaphore, #tpu.memory_space<semaphore_mem>>) src(%dma_wait3A_29 : memref<10000x128xf32, #tpu.memory_space<hbm>>) dst(%arg10 : memref<128x128xf32, #tpu.memory_space<vmem>>)
      "tpu.region"() ({
        %run_scoped3A = tpu.sem_alloc : memref<!tpu.dma_semaphore, #tpu.memory_space<semaphore_mem>>
        %dma_start3A_30 = arith.constant 0 : i32
        %dma_start3A_31 = arith.constant 0 : i32
        %dma_start3A_32 = tpu.memref_slice %arg11[%dma_start3A_30, %dma_start3A_31] : memref<10008x128xf32, #tpu.memory_space<vmem_shared>> -> memref<10008x128xf32, #tpu.memory_space<vmem_shared>>
        tpu.enqueue_indirect_dma source(%arg10 : memref<128x128xf32, #tpu.memory_space<vmem>>) target(%dma_start3A_32 : memref<10008x128xf32, #tpu.memory_space<vmem_shared>>) offsets(%arg9 : memref<128xi32, #tpu.memory_space<vmem>>) semaphore(%run_scoped3A : memref<!tpu.dma_semaphore, #tpu.memory_space<semaphore_mem>>) {add = true}
        %dma_wait3A_33 = arith.constant 0 : i32
        %dma_wait3A_34 = arith.constant 0 : i32
        %dma_wait3A_35 = tpu.memref_slice %arg11[%dma_wait3A_33, %dma_wait3A_34] : memref<10008x128xf32, #tpu.memory_space<vmem_shared>> -> memref<10008x128xf32, #tpu.memory_space<vmem_shared>>
        tpu.wait_indirect_dma semaphore(%run_scoped3A : memref<!tpu.dma_semaphore, #tpu.memory_space<semaphore_mem>>) src(%arg10 : memref<128x128xf32, #tpu.memory_space<vmem>>) dst(%dma_wait3A_35 : memref<10008x128xf32, #tpu.memory_space<vmem_shared>>)
        tpu.yield
      }) : () -> ()
    }
    %scan3A_11 = arith.constant 79 : i32
    %barrier3A_12 = arith.constant 0 : index
    tpu.barrier barrier_id(%barrier3A_12)
    %eq3A_13 = arith.constant 0 : i32
    %eq3A_14 = arith.cmpi eq, %arg0, %eq3A_13 : i32
    %convert_element_type3A_15 = arith.extui %eq3A_14 : i1 to i32
    %cond3A_16 = arith.constant 0 : i32
    %cond3A_17 = arith.cmpi ne, %convert_element_type3A_15, %cond3A_16 : i32
    scf.if %cond3A_17 {
      %mul3A_23 = arith.constant 624 : i32
      %mul3A_24 = arith.muli %arg1, %mul3A_23 : i32
      %mul3A_25 = arith.constant 624 : i32
      %mul3A_26 = arith.muli %arg1, %mul3A_25 : i32
      "tpu.region"() ({
        %run_scoped3A = tpu.sem_alloc : memref<!tpu.dma_semaphore, #tpu.memory_space<semaphore_mem>>
        %dma_start3A = arith.constant 0 : i32
        %dma_start3A_32 = tpu.memref_slice %arg6[%mul3A_26, %dma_start3A] : memref<10000x128xf32, #tpu.memory_space<hbm>> -> memref<624x128xf32, #tpu.memory_space<hbm>>
        %dma_start3A_33 = arith.constant 0 : i32
        %dma_start3A_34 = tpu.memref_slice %arg11[%mul3A_24, %dma_start3A_33] : memref<10008x128xf32, #tpu.memory_space<vmem_shared>> -> memref<624x128xf32, #tpu.memory_space<vmem_shared>>
        tpu.enqueue_dma source(%dma_start3A_34 : memref<624x128xf32, #tpu.memory_space<vmem_shared>>) target(%dma_start3A_32 : memref<624x128xf32, #tpu.memory_space<hbm>>) target_semaphore(%run_scoped3A : memref<!tpu.dma_semaphore, #tpu.memory_space<semaphore_mem>>)
        %dma_wait3A = arith.constant 0 : i32
        %dma_wait3A_35 = tpu.memref_slice %arg6[%mul3A_26, %dma_wait3A] : memref<10000x128xf32, #tpu.memory_space<hbm>> -> memref<624x128xf32, #tpu.memory_space<hbm>>
        %dma_wait3A_36 = arith.constant 0 : i32
        %dma_wait3A_37 = tpu.memref_slice %arg11[%mul3A_24, %dma_wait3A_36] : memref<10008x128xf32, #tpu.memory_space<vmem_shared>> -> memref<624x128xf32, #tpu.memory_space<vmem_shared>>
        tpu.wait_dma2 semaphore(%run_scoped3A : memref<!tpu.dma_semaphore, #tpu.memory_space<semaphore_mem>>) src(%dma_wait3A_37 : memref<624x128xf32, #tpu.memory_space<vmem_shared>>) dst(%dma_wait3A_35 : memref<624x128xf32, #tpu.memory_space<hbm>>)
        tpu.yield
      }) : () -> ()
      %eq3A_27 = arith.constant 15 : i32
      %eq3A_28 = arith.cmpi eq, %arg1, %eq3A_27 : i32
      %convert_element_type3A_29 = arith.extui %eq3A_28 : i1 to i32
      %cond3A_30 = arith.constant 0 : i32
      %cond3A_31 = arith.cmpi ne, %convert_element_type3A_29, %cond3A_30 : i32
      scf.if %cond3A_31 {
        "tpu.region"() ({
          %run_scoped3A = tpu.sem_alloc : memref<!tpu.dma_semaphore, #tpu.memory_space<semaphore_mem>>
          %dma_start3A = arith.constant 9984 : i32
          %dma_start3A_32 = arith.constant 0 : i32
          %dma_start3A_33 = tpu.memref_slice %arg6[%dma_start3A, %dma_start3A_32] : memref<10000x128xf32, #tpu.memory_space<hbm>> -> memref<16x128xf32, #tpu.memory_space<hbm>>
          %dma_start3A_34 = arith.constant 9984 : i32
          %dma_start3A_35 = arith.constant 0 : i32
          %dma_start3A_36 = tpu.memref_slice %arg11[%dma_start3A_34, %dma_start3A_35] : memref<10008x128xf32, #tpu.memory_space<vmem_shared>> -> memref<16x128xf32, #tpu.memory_space<vmem_shared>>
          tpu.enqueue_dma source(%dma_start3A_36 : memref<16x128xf32, #tpu.memory_space<vmem_shared>>) target(%dma_start3A_33 : memref<16x128xf32, #tpu.memory_space<hbm>>) target_semaphore(%run_scoped3A : memref<!tpu.dma_semaphore, #tpu.memory_space<semaphore_mem>>)
          %dma_wait3A = arith.constant 9984 : i32
          %dma_wait3A_37 = arith.constant 0 : i32
          %dma_wait3A_38 = tpu.memref_slice %arg6[%dma_wait3A, %dma_wait3A_37] : memref<10000x128xf32, #tpu.memory_space<hbm>> -> memref<16x128xf32, #tpu.memory_space<hbm>>
          %dma_wait3A_39 = arith.constant 9984 : i32
          %dma_wait3A_40 = arith.constant 0 : i32
          %dma_wait3A_41 = tpu.memref_slice %arg11[%dma_wait3A_39, %dma_wait3A_40] : memref<10008x128xf32, #tpu.memory_space<vmem_shared>> -> memref<16x128xf32, #tpu.memory_space<vmem_shared>>
          tpu.wait_dma2 semaphore(%run_scoped3A : memref<!tpu.dma_semaphore, #tpu.memory_space<semaphore_mem>>) src(%dma_wait3A_41 : memref<16x128xf32, #tpu.memory_space<vmem_shared>>) dst(%dma_wait3A_38 : memref<16x128xf32, #tpu.memory_space<hbm>>)
          tpu.yield
        }) : () -> ()
      } else {
      }
    } else {
    }
    %eq3A_18 = arith.constant 1 : i32
    %eq3A_19 = arith.cmpi eq, %arg0, %eq3A_18 : i32
    %convert_element_type3A_20 = arith.extui %eq3A_19 : i1 to i32
    %cond3A_21 = arith.constant 0 : i32
    %cond3A_22 = arith.cmpi ne, %convert_element_type3A_20, %cond3A_21 : i32
    scf.if %cond3A_22 {
      %mul3A_23 = arith.constant 624 : i32
      %mul3A_24 = arith.muli %arg1, %mul3A_23 : i32
      %mul3A_25 = arith.constant 624 : i32
      %mul3A_26 = arith.muli %arg1, %mul3A_25 : i32
      "tpu.region"() ({
        %run_scoped3A = tpu.sem_alloc : memref<!tpu.dma_semaphore, #tpu.memory_space<semaphore_mem>>
        %dma_start3A = arith.constant 0 : i32
        %dma_start3A_32 = tpu.memref_slice %arg7[%mul3A_26, %dma_start3A] : memref<10000x128xf32, #tpu.memory_space<hbm>> -> memref<624x128xf32, #tpu.memory_space<hbm>>
        %dma_start3A_33 = arith.constant 0 : i32
        %dma_start3A_34 = tpu.memref_slice %arg11[%mul3A_24, %dma_start3A_33] : memref<10008x128xf32, #tpu.memory_space<vmem_shared>> -> memref<624x128xf32, #tpu.memory_space<vmem_shared>>
        tpu.enqueue_dma source(%dma_start3A_34 : memref<624x128xf32, #tpu.memory_space<vmem_shared>>) target(%dma_start3A_32 : memref<624x128xf32, #tpu.memory_space<hbm>>) target_semaphore(%run_scoped3A : memref<!tpu.dma_semaphore, #tpu.memory_space<semaphore_mem>>)
        %dma_wait3A = arith.constant 0 : i32
        %dma_wait3A_35 = tpu.memref_slice %arg7[%mul3A_26, %dma_wait3A] : memref<10000x128xf32, #tpu.memory_space<hbm>> -> memref<624x128xf32, #tpu.memory_space<hbm>>
        %dma_wait3A_36 = arith.constant 0 : i32
        %dma_wait3A_37 = tpu.memref_slice %arg11[%mul3A_24, %dma_wait3A_36] : memref<10008x128xf32, #tpu.memory_space<vmem_shared>> -> memref<624x128xf32, #tpu.memory_space<vmem_shared>>
        tpu.wait_dma2 semaphore(%run_scoped3A : memref<!tpu.dma_semaphore, #tpu.memory_space<semaphore_mem>>) src(%dma_wait3A_37 : memref<624x128xf32, #tpu.memory_space<vmem_shared>>) dst(%dma_wait3A_35 : memref<624x128xf32, #tpu.memory_space<hbm>>)
        tpu.yield
      }) : () -> ()
      %eq3A_27 = arith.constant 15 : i32
      %eq3A_28 = arith.cmpi eq, %arg1, %eq3A_27 : i32
      %convert_element_type3A_29 = arith.extui %eq3A_28 : i1 to i32
      %cond3A_30 = arith.constant 0 : i32
      %cond3A_31 = arith.cmpi ne, %convert_element_type3A_29, %cond3A_30 : i32
      scf.if %cond3A_31 {
        "tpu.region"() ({
          %run_scoped3A = tpu.sem_alloc : memref<!tpu.dma_semaphore, #tpu.memory_space<semaphore_mem>>
          %dma_start3A = arith.constant 9984 : i32
          %dma_start3A_32 = arith.constant 0 : i32
          %dma_start3A_33 = tpu.memref_slice %arg7[%dma_start3A, %dma_start3A_32] : memref<10000x128xf32, #tpu.memory_space<hbm>> -> memref<16x128xf32, #tpu.memory_space<hbm>>
          %dma_start3A_34 = arith.constant 9984 : i32
          %dma_start3A_35 = arith.constant 0 : i32
          %dma_start3A_36 = tpu.memref_slice %arg11[%dma_start3A_34, %dma_start3A_35] : memref<10008x128xf32, #tpu.memory_space<vmem_shared>> -> memref<16x128xf32, #tpu.memory_space<vmem_shared>>
          tpu.enqueue_dma source(%dma_start3A_36 : memref<16x128xf32, #tpu.memory_space<vmem_shared>>) target(%dma_start3A_33 : memref<16x128xf32, #tpu.memory_space<hbm>>) target_semaphore(%run_scoped3A : memref<!tpu.dma_semaphore, #tpu.memory_space<semaphore_mem>>)
          %dma_wait3A = arith.constant 9984 : i32
          %dma_wait3A_37 = arith.constant 0 : i32
          %dma_wait3A_38 = tpu.memref_slice %arg7[%dma_wait3A, %dma_wait3A_37] : memref<10000x128xf32, #tpu.memory_space<hbm>> -> memref<16x128xf32, #tpu.memory_space<hbm>>
          %dma_wait3A_39 = arith.constant 9984 : i32
          %dma_wait3A_40 = arith.constant 0 : i32
          %dma_wait3A_41 = tpu.memref_slice %arg11[%dma_wait3A_39, %dma_wait3A_40] : memref<10008x128xf32, #tpu.memory_space<vmem_shared>> -> memref<16x128xf32, #tpu.memory_space<vmem_shared>>
          tpu.wait_dma2 semaphore(%run_scoped3A : memref<!tpu.dma_semaphore, #tpu.memory_space<semaphore_mem>>) src(%dma_wait3A_41 : memref<16x128xf32, #tpu.memory_space<vmem_shared>>) dst(%dma_wait3A_38 : memref<16x128xf32, #tpu.memory_space<hbm>>)
          tpu.yield
        }) : () -> ()
      } else {
      }
    } else {
    }
    return
  }
}

#map = affine_map<(d0, d1) -> (0, 0)>
module attributes {stable_mosaic.version = 14 : i64} {
  func.func @_sc_scatter(%arg0: i32, %arg1: i32, %arg2: memref<2528x128xi32, #tpu.memory_space<hbm>>, %arg3: memref<2528x128xi32, #tpu.memory_space<hbm>>, %arg4: memref<10000x128xf32, #tpu.memory_space<hbm>>, %arg5: memref<624x128xf32, #tpu.memory_space<hbm>>, %arg6: memref<10000x128xf32, #tpu.memory_space<hbm>>, %arg7: memref<10000x128xf32, #tpu.memory_space<hbm>>, %arg8: memref<128xi32, #tpu.memory_space<vmem>>, %arg9: memref<128xi32, #tpu.memory_space<vmem>>, %arg10: memref<128x128xf32, #tpu.memory_space<vmem>>, %arg11: memref<10008x128xf32, #tpu.memory_space<vmem_shared>>, %arg12: memref<!tpu.dma_semaphore, #tpu.memory_space<semaphore_mem>>) attributes {dimension_semantics = [#tpu.dimension_semantics<core_parallel>, #tpu.dimension_semantics<subcore_parallel>], iteration_bounds = array<i64: 2, 16>, scalar_prefetch = 0 : i64, scratch_operands = 5 : i64, tpu.core_type = #tpu.core_type<sc_vector_subcore>, window_params = [{transform_indices = #map}, {transform_indices = #map}, {transform_indices = #map}, {transform_indices = #map}, {transform_indices = #map}, {transform_indices = #map}]} {
    %mul3A = arith.constant 624 : i32
    %mul3A_0 = arith.muli %arg1, %mul3A : i32
    "tpu.region"() ({
      %run_scoped3A = tpu.sem_alloc : memref<!tpu.dma_semaphore, #tpu.memory_space<semaphore_mem>>
      %dma_start3A = arith.constant 0 : i32
      %dma_start3A_23 = tpu.memref_slice %arg11[%mul3A_0, %dma_start3A] : memref<10008x128xf32, #tpu.memory_space<vmem_shared>> -> memref<624x128xf32, #tpu.memory_space<vmem_shared>>
      %dma_start3A_24 = arith.constant 0 : i32
      %dma_start3A_25 = arith.constant 0 : i32
      %dma_start3A_26 = tpu.memref_slice %arg5[%dma_start3A_24, %dma_start3A_25] : memref<624x128xf32, #tpu.memory_space<hbm>> -> memref<624x128xf32, #tpu.memory_space<hbm>>
      tpu.enqueue_dma source(%dma_start3A_26 : memref<624x128xf32, #tpu.memory_space<hbm>>) target(%dma_start3A_23 : memref<624x128xf32, #tpu.memory_space<vmem_shared>>) target_semaphore(%run_scoped3A : memref<!tpu.dma_semaphore, #tpu.memory_space<semaphore_mem>>)
      %dma_wait3A = arith.constant 0 : i32
      %dma_wait3A_27 = tpu.memref_slice %arg11[%mul3A_0, %dma_wait3A] : memref<10008x128xf32, #tpu.memory_space<vmem_shared>> -> memref<624x128xf32, #tpu.memory_space<vmem_shared>>
      %dma_wait3A_28 = arith.constant 0 : i32
      %dma_wait3A_29 = arith.constant 0 : i32
      %dma_wait3A_30 = tpu.memref_slice %arg5[%dma_wait3A_28, %dma_wait3A_29] : memref<624x128xf32, #tpu.memory_space<hbm>> -> memref<624x128xf32, #tpu.memory_space<hbm>>
      tpu.wait_dma2 semaphore(%run_scoped3A : memref<!tpu.dma_semaphore, #tpu.memory_space<semaphore_mem>>) src(%dma_wait3A_30 : memref<624x128xf32, #tpu.memory_space<hbm>>) dst(%dma_wait3A_27 : memref<624x128xf32, #tpu.memory_space<vmem_shared>>)
      tpu.yield
    }) : () -> ()
    %eq3A = arith.constant 15 : i32
    %eq3A_1 = arith.cmpi eq, %arg1, %eq3A : i32
    %convert_element_type3A = arith.extui %eq3A_1 : i1 to i32
    %cond3A = arith.constant 0 : i32
    %cond3A_2 = arith.cmpi ne, %convert_element_type3A, %cond3A : i32
    scf.if %cond3A_2 {
      "tpu.region"() ({
        %run_scoped3A = tpu.sem_alloc : memref<!tpu.dma_semaphore, #tpu.memory_space<semaphore_mem>>
        %dma_start3A = arith.constant 9984 : i32
        %dma_start3A_23 = arith.constant 0 : i32
        %dma_start3A_24 = tpu.memref_slice %arg11[%dma_start3A, %dma_start3A_23] : memref<10008x128xf32, #tpu.memory_space<vmem_shared>> -> memref<16x128xf32, #tpu.memory_space<vmem_shared>>
        %dma_start3A_25 = arith.constant 0 : i32
        %dma_start3A_26 = arith.constant 0 : i32
        %dma_start3A_27 = tpu.memref_slice %arg5[%dma_start3A_25, %dma_start3A_26] : memref<624x128xf32, #tpu.memory_space<hbm>> -> memref<16x128xf32, #tpu.memory_space<hbm>>
        tpu.enqueue_dma source(%dma_start3A_27 : memref<16x128xf32, #tpu.memory_space<hbm>>) target(%dma_start3A_24 : memref<16x128xf32, #tpu.memory_space<vmem_shared>>) target_semaphore(%run_scoped3A : memref<!tpu.dma_semaphore, #tpu.memory_space<semaphore_mem>>)
        %dma_wait3A = arith.constant 9984 : i32
        %dma_wait3A_28 = arith.constant 0 : i32
        %dma_wait3A_29 = tpu.memref_slice %arg11[%dma_wait3A, %dma_wait3A_28] : memref<10008x128xf32, #tpu.memory_space<vmem_shared>> -> memref<16x128xf32, #tpu.memory_space<vmem_shared>>
        %dma_wait3A_30 = arith.constant 0 : i32
        %dma_wait3A_31 = arith.constant 0 : i32
        %dma_wait3A_32 = tpu.memref_slice %arg5[%dma_wait3A_30, %dma_wait3A_31] : memref<624x128xf32, #tpu.memory_space<hbm>> -> memref<16x128xf32, #tpu.memory_space<hbm>>
        tpu.wait_dma2 semaphore(%run_scoped3A : memref<!tpu.dma_semaphore, #tpu.memory_space<semaphore_mem>>) src(%dma_wait3A_32 : memref<16x128xf32, #tpu.memory_space<hbm>>) dst(%dma_wait3A_29 : memref<16x128xf32, #tpu.memory_space<vmem_shared>>)
        tpu.yield
      }) : () -> ()
    } else {
    }
    %barrier3A = arith.constant 0 : index
    tpu.barrier barrier_id(%barrier3A)
    %mul3A_3 = arith.constant 16 : i32
    %mul3A_4 = arith.muli %arg0, %mul3A_3 : i32
    %add3A = arith.addi %mul3A_4, %arg1 : i32
    %mul3A_5 = arith.constant 79 : i32
    %mul3A_6 = arith.muli %add3A, %mul3A_5 : i32
    %scan3A = arith.constant 0 : i32
    %scan3A_7 = arith.constant 0 : i32
    %scan3A_8 = arith.constant 79 : i32
    %scan3A_9 = arith.addi %scan3A_7, %scan3A_8 : i32
    %scan3A_10 = arith.constant 1 : i32
    scf.for %scan3A_23 = %scan3A_7 to %scan3A_9 step %scan3A_10  : i32 {
      %add3A_24 = arith.addi %mul3A_6, %scan3A_23 : i32
      "tpu.region"() ({
        %run_scoped3A = tpu.sem_alloc : memref<!tpu.dma_semaphore, #tpu.memory_space<semaphore_mem>>
        %dma_start3A_30 = arith.constant 0 : i32
        %dma_start3A_31 = tpu.memref_slice %arg2[%add3A_24, %dma_start3A_30] : memref<2528x128xi32, #tpu.memory_space<hbm>> -> memref<1x128xi32, #tpu.memory_space<hbm>>
        %dma_start3A_32 = tpu.memref_squeeze %dma_start3A_31 : memref<1x128xi32, #tpu.memory_space<hbm>> -> memref<128xi32, #tpu.memory_space<hbm>>
        %dma_start3A_33 = arith.constant 0 : i32
        %dma_start3A_34 = tpu.memref_slice %arg2[%add3A_24, %dma_start3A_33] : memref<2528x128xi32, #tpu.memory_space<hbm>> -> memref<1x128xi32, #tpu.memory_space<hbm>>
        %dma_start3A_35 = tpu.memref_squeeze %dma_start3A_34 : memref<1x128xi32, #tpu.memory_space<hbm>> -> memref<128xi32, #tpu.memory_space<hbm>>
        tpu.enqueue_dma source(%dma_start3A_35 : memref<128xi32, #tpu.memory_space<hbm>>) target(%arg8 : memref<128xi32, #tpu.memory_space<vmem>>) target_semaphore(%run_scoped3A : memref<!tpu.dma_semaphore, #tpu.memory_space<semaphore_mem>>)
        %dma_wait3A_36 = arith.constant 0 : i32
        %dma_wait3A_37 = tpu.memref_slice %arg2[%add3A_24, %dma_wait3A_36] : memref<2528x128xi32, #tpu.memory_space<hbm>> -> memref<1x128xi32, #tpu.memory_space<hbm>>
        %dma_wait3A_38 = tpu.memref_squeeze %dma_wait3A_37 : memref<1x128xi32, #tpu.memory_space<hbm>> -> memref<128xi32, #tpu.memory_space<hbm>>
        %dma_wait3A_39 = arith.constant 0 : i32
        %dma_wait3A_40 = tpu.memref_slice %arg2[%add3A_24, %dma_wait3A_39] : memref<2528x128xi32, #tpu.memory_space<hbm>> -> memref<1x128xi32, #tpu.memory_space<hbm>>
        %dma_wait3A_41 = tpu.memref_squeeze %dma_wait3A_40 : memref<1x128xi32, #tpu.memory_space<hbm>> -> memref<128xi32, #tpu.memory_space<hbm>>
        tpu.wait_dma2 semaphore(%run_scoped3A : memref<!tpu.dma_semaphore, #tpu.memory_space<semaphore_mem>>) src(%dma_wait3A_41 : memref<128xi32, #tpu.memory_space<hbm>>) dst(%arg8 : memref<128xi32, #tpu.memory_space<vmem>>)
        tpu.yield
      }) : () -> ()
      %add3A_25 = arith.addi %mul3A_6, %scan3A_23 : i32
      "tpu.region"() ({
        %run_scoped3A = tpu.sem_alloc : memref<!tpu.dma_semaphore, #tpu.memory_space<semaphore_mem>>
        %dma_start3A_30 = arith.constant 0 : i32
        %dma_start3A_31 = tpu.memref_slice %arg3[%add3A_25, %dma_start3A_30] : memref<2528x128xi32, #tpu.memory_space<hbm>> -> memref<1x128xi32, #tpu.memory_space<hbm>>
        %dma_start3A_32 = tpu.memref_squeeze %dma_start3A_31 : memref<1x128xi32, #tpu.memory_space<hbm>> -> memref<128xi32, #tpu.memory_space<hbm>>
        %dma_start3A_33 = arith.constant 0 : i32
        %dma_start3A_34 = tpu.memref_slice %arg3[%add3A_25, %dma_start3A_33] : memref<2528x128xi32, #tpu.memory_space<hbm>> -> memref<1x128xi32, #tpu.memory_space<hbm>>
        %dma_start3A_35 = tpu.memref_squeeze %dma_start3A_34 : memref<1x128xi32, #tpu.memory_space<hbm>> -> memref<128xi32, #tpu.memory_space<hbm>>
        tpu.enqueue_dma source(%dma_start3A_35 : memref<128xi32, #tpu.memory_space<hbm>>) target(%arg9 : memref<128xi32, #tpu.memory_space<vmem>>) target_semaphore(%run_scoped3A : memref<!tpu.dma_semaphore, #tpu.memory_space<semaphore_mem>>)
        %dma_wait3A_36 = arith.constant 0 : i32
        %dma_wait3A_37 = tpu.memref_slice %arg3[%add3A_25, %dma_wait3A_36] : memref<2528x128xi32, #tpu.memory_space<hbm>> -> memref<1x128xi32, #tpu.memory_space<hbm>>
        %dma_wait3A_38 = tpu.memref_squeeze %dma_wait3A_37 : memref<1x128xi32, #tpu.memory_space<hbm>> -> memref<128xi32, #tpu.memory_space<hbm>>
        %dma_wait3A_39 = arith.constant 0 : i32
        %dma_wait3A_40 = tpu.memref_slice %arg3[%add3A_25, %dma_wait3A_39] : memref<2528x128xi32, #tpu.memory_space<hbm>> -> memref<1x128xi32, #tpu.memory_space<hbm>>
        %dma_wait3A_41 = tpu.memref_squeeze %dma_wait3A_40 : memref<1x128xi32, #tpu.memory_space<hbm>> -> memref<128xi32, #tpu.memory_space<hbm>>
        tpu.wait_dma2 semaphore(%run_scoped3A : memref<!tpu.dma_semaphore, #tpu.memory_space<semaphore_mem>>) src(%dma_wait3A_41 : memref<128xi32, #tpu.memory_space<hbm>>) dst(%arg9 : memref<128xi32, #tpu.memory_space<vmem>>)
        tpu.yield
      }) : () -> ()
      %dma_start3A = arith.constant 0 : i32
      %dma_start3A_26 = arith.constant 0 : i32
      %dma_start3A_27 = tpu.memref_slice %arg4[%dma_start3A, %dma_start3A_26] : memref<10000x128xf32, #tpu.memory_space<hbm>> -> memref<10000x128xf32, #tpu.memory_space<hbm>>
      tpu.enqueue_indirect_dma source(%dma_start3A_27 : memref<10000x128xf32, #tpu.memory_space<hbm>>) target(%arg10 : memref<128x128xf32, #tpu.memory_space<vmem>>) offsets(%arg8 : memref<128xi32, #tpu.memory_space<vmem>>) semaphore(%arg12 : memref<!tpu.dma_semaphore, #tpu.memory_space<semaphore_mem>>)
      %dma_wait3A = arith.constant 0 : i32
      %dma_wait3A_28 = arith.constant 0 : i32
      %dma_wait3A_29 = tpu.memref_slice %arg4[%dma_wait3A, %dma_wait3A_28] : memref<10000x128xf32, #tpu.memory_space<hbm>> -> memref<10000x128xf32, #tpu.memory_space<hbm>>
      tpu.wait_indirect_dma semaphore(%arg12 : memref<!tpu.dma_semaphore, #tpu.memory_space<semaphore_mem>>) src(%dma_wait3A_29 : memref<10000x128xf32, #tpu.memory_space<hbm>>) dst(%arg10 : memref<128x128xf32, #tpu.memory_space<vmem>>)
      "tpu.region"() ({
        %run_scoped3A = tpu.sem_alloc : memref<!tpu.dma_semaphore, #tpu.memory_space<semaphore_mem>>
        %dma_start3A_30 = arith.constant 0 : i32
        %dma_start3A_31 = arith.constant 0 : i32
        %dma_start3A_32 = tpu.memref_slice %arg11[%dma_start3A_30, %dma_start3A_31] : memref<10008x128xf32, #tpu.memory_space<vmem_shared>> -> memref<10008x128xf32, #tpu.memory_space<vmem_shared>>
        tpu.enqueue_indirect_dma source(%arg10 : memref<128x128xf32, #tpu.memory_space<vmem>>) target(%dma_start3A_32 : memref<10008x128xf32, #tpu.memory_space<vmem_shared>>) offsets(%arg9 : memref<128xi32, #tpu.memory_space<vmem>>) semaphore(%run_scoped3A : memref<!tpu.dma_semaphore, #tpu.memory_space<semaphore_mem>>) {add = true}
        %dma_wait3A_33 = arith.constant 0 : i32
        %dma_wait3A_34 = arith.constant 0 : i32
        %dma_wait3A_35 = tpu.memref_slice %arg11[%dma_wait3A_33, %dma_wait3A_34] : memref<10008x128xf32, #tpu.memory_space<vmem_shared>> -> memref<10008x128xf32, #tpu.memory_space<vmem_shared>>
        tpu.wait_indirect_dma semaphore(%run_scoped3A : memref<!tpu.dma_semaphore, #tpu.memory_space<semaphore_mem>>) src(%arg10 : memref<128x128xf32, #tpu.memory_space<vmem>>) dst(%dma_wait3A_35 : memref<10008x128xf32, #tpu.memory_space<vmem_shared>>)
        tpu.yield
      }) : () -> ()
    }
    %scan3A_11 = arith.constant 79 : i32
    %barrier3A_12 = arith.constant 0 : index
    tpu.barrier barrier_id(%barrier3A_12)
    %eq3A_13 = arith.constant 0 : i32
    %eq3A_14 = arith.cmpi eq, %arg0, %eq3A_13 : i32
    %convert_element_type3A_15 = arith.extui %eq3A_14 : i1 to i32
    %cond3A_16 = arith.constant 0 : i32
    %cond3A_17 = arith.cmpi ne, %convert_element_type3A_15, %cond3A_16 : i32
    scf.if %cond3A_17 {
      %mul3A_23 = arith.constant 624 : i32
      %mul3A_24 = arith.muli %arg1, %mul3A_23 : i32
      %mul3A_25 = arith.constant 624 : i32
      %mul3A_26 = arith.muli %arg1, %mul3A_25 : i32
      "tpu.region"() ({
        %run_scoped3A = tpu.sem_alloc : memref<!tpu.dma_semaphore, #tpu.memory_space<semaphore_mem>>
        %dma_start3A = arith.constant 0 : i32
        %dma_start3A_32 = tpu.memref_slice %arg6[%mul3A_26, %dma_start3A] : memref<10000x128xf32, #tpu.memory_space<hbm>> -> memref<624x128xf32, #tpu.memory_space<hbm>>
        %dma_start3A_33 = arith.constant 0 : i32
        %dma_start3A_34 = tpu.memref_slice %arg11[%mul3A_24, %dma_start3A_33] : memref<10008x128xf32, #tpu.memory_space<vmem_shared>> -> memref<624x128xf32, #tpu.memory_space<vmem_shared>>
        tpu.enqueue_dma source(%dma_start3A_34 : memref<624x128xf32, #tpu.memory_space<vmem_shared>>) target(%dma_start3A_32 : memref<624x128xf32, #tpu.memory_space<hbm>>) target_semaphore(%run_scoped3A : memref<!tpu.dma_semaphore, #tpu.memory_space<semaphore_mem>>)
        %dma_wait3A = arith.constant 0 : i32
        %dma_wait3A_35 = tpu.memref_slice %arg6[%mul3A_26, %dma_wait3A] : memref<10000x128xf32, #tpu.memory_space<hbm>> -> memref<624x128xf32, #tpu.memory_space<hbm>>
        %dma_wait3A_36 = arith.constant 0 : i32
        %dma_wait3A_37 = tpu.memref_slice %arg11[%mul3A_24, %dma_wait3A_36] : memref<10008x128xf32, #tpu.memory_space<vmem_shared>> -> memref<624x128xf32, #tpu.memory_space<vmem_shared>>
        tpu.wait_dma2 semaphore(%run_scoped3A : memref<!tpu.dma_semaphore, #tpu.memory_space<semaphore_mem>>) src(%dma_wait3A_37 : memref<624x128xf32, #tpu.memory_space<vmem_shared>>) dst(%dma_wait3A_35 : memref<624x128xf32, #tpu.memory_space<hbm>>)
        tpu.yield
      }) : () -> ()
      %eq3A_27 = arith.constant 15 : i32
      %eq3A_28 = arith.cmpi eq, %arg1, %eq3A_27 : i32
      %convert_element_type3A_29 = arith.extui %eq3A_28 : i1 to i32
      %cond3A_30 = arith.constant 0 : i32
      %cond3A_31 = arith.cmpi ne, %convert_element_type3A_29, %cond3A_30 : i32
      scf.if %cond3A_31 {
        "tpu.region"() ({
          %run_scoped3A = tpu.sem_alloc : memref<!tpu.dma_semaphore, #tpu.memory_space<semaphore_mem>>
          %dma_start3A = arith.constant 9984 : i32
          %dma_start3A_32 = arith.constant 0 : i32
          %dma_start3A_33 = tpu.memref_slice %arg6[%dma_start3A, %dma_start3A_32] : memref<10000x128xf32, #tpu.memory_space<hbm>> -> memref<16x128xf32, #tpu.memory_space<hbm>>
          %dma_start3A_34 = arith.constant 9984 : i32
          %dma_start3A_35 = arith.constant 0 : i32
          %dma_start3A_36 = tpu.memref_slice %arg11[%dma_start3A_34, %dma_start3A_35] : memref<10008x128xf32, #tpu.memory_space<vmem_shared>> -> memref<16x128xf32, #tpu.memory_space<vmem_shared>>
          tpu.enqueue_dma source(%dma_start3A_36 : memref<16x128xf32, #tpu.memory_space<vmem_shared>>) target(%dma_start3A_33 : memref<16x128xf32, #tpu.memory_space<hbm>>) target_semaphore(%run_scoped3A : memref<!tpu.dma_semaphore, #tpu.memory_space<semaphore_mem>>)
          %dma_wait3A = arith.constant 9984 : i32
          %dma_wait3A_37 = arith.constant 0 : i32
          %dma_wait3A_38 = tpu.memref_slice %arg6[%dma_wait3A, %dma_wait3A_37] : memref<10000x128xf32, #tpu.memory_space<hbm>> -> memref<16x128xf32, #tpu.memory_space<hbm>>
          %dma_wait3A_39 = arith.constant 9984 : i32
          %dma_wait3A_40 = arith.constant 0 : i32
          %dma_wait3A_41 = tpu.memref_slice %arg11[%dma_wait3A_39, %dma_wait3A_40] : memref<10008x128xf32, #tpu.memory_space<vmem_shared>> -> memref<16x128xf32, #tpu.memory_space<vmem_shared>>
          tpu.wait_dma2 semaphore(%run_scoped3A : memref<!tpu.dma_semaphore, #tpu.memory_space<semaphore_mem>>) src(%dma_wait3A_41 : memref<16x128xf32, #tpu.memory_space<vmem_shared>>) dst(%dma_wait3A_38 : memref<16x128xf32, #tpu.memory_space<hbm>>)
          tpu.yield
        }) : () -> ()
      } else {
      }
    } else {
    }
    %eq3A_18 = arith.constant 1 : i32
    %eq3A_19 = arith.cmpi eq, %arg0, %eq3A_18 : i32
    %convert_element_type3A_20 = arith.extui %eq3A_19 : i1 to i32
    %cond3A_21 = arith.constant 0 : i32
    %cond3A_22 = arith.cmpi ne, %convert_element_type3A_20, %cond3A_21 : i32
    scf.if %cond3A_22 {
      %mul3A_23 = arith.constant 624 : i32
      %mul3A_24 = arith.muli %arg1, %mul3A_23 : i32
      %mul3A_25 = arith.constant 624 : i32
      %mul3A_26 = arith.muli %arg1, %mul3A_25 : i32
      "tpu.region"() ({
        %run_scoped3A = tpu.sem_alloc : memref<!tpu.dma_semaphore, #tpu.memory_space<semaphore_mem>>
        %dma_start3A = arith.constant 0 : i32
        %dma_start3A_32 = tpu.memref_slice %arg7[%mul3A_26, %dma_start3A] : memref<10000x128xf32, #tpu.memory_space<hbm>> -> memref<624x128xf32, #tpu.memory_space<hbm>>
        %dma_start3A_33 = arith.constant 0 : i32
        %dma_start3A_34 = tpu.memref_slice %arg11[%mul3A_24, %dma_start3A_33] : memref<10008x128xf32, #tpu.memory_space<vmem_shared>> -> memref<624x128xf32, #tpu.memory_space<vmem_shared>>
        tpu.enqueue_dma source(%dma_start3A_34 : memref<624x128xf32, #tpu.memory_space<vmem_shared>>) target(%dma_start3A_32 : memref<624x128xf32, #tpu.memory_space<hbm>>) target_semaphore(%run_scoped3A : memref<!tpu.dma_semaphore, #tpu.memory_space<semaphore_mem>>)
        %dma_wait3A = arith.constant 0 : i32
        %dma_wait3A_35 = tpu.memref_slice %arg7[%mul3A_26, %dma_wait3A] : memref<10000x128xf32, #tpu.memory_space<hbm>> -> memref<624x128xf32, #tpu.memory_space<hbm>>
        %dma_wait3A_36 = arith.constant 0 : i32
        %dma_wait3A_37 = tpu.memref_slice %arg11[%mul3A_24, %dma_wait3A_36] : memref<10008x128xf32, #tpu.memory_space<vmem_shared>> -> memref<624x128xf32, #tpu.memory_space<vmem_shared>>
        tpu.wait_dma2 semaphore(%run_scoped3A : memref<!tpu.dma_semaphore, #tpu.memory_space<semaphore_mem>>) src(%dma_wait3A_37 : memref<624x128xf32, #tpu.memory_space<vmem_shared>>) dst(%dma_wait3A_35 : memref<624x128xf32, #tpu.memory_space<hbm>>)
        tpu.yield
      }) : () -> ()
      %eq3A_27 = arith.constant 15 : i32
      %eq3A_28 = arith.cmpi eq, %arg1, %eq3A_27 : i32
      %convert_element_type3A_29 = arith.extui %eq3A_28 : i1 to i32
      %cond3A_30 = arith.constant 0 : i32
      %cond3A_31 = arith.cmpi ne, %convert_element_type3A_29, %cond3A_30 : i32
      scf.if %cond3A_31 {
        "tpu.region"() ({
          %run_scoped3A = tpu.sem_alloc : memref<!tpu.dma_semaphore, #tpu.memory_space<semaphore_mem>>
          %dma_start3A = arith.constant 9984 : i32
          %dma_start3A_32 = arith.constant 0 : i32
          %dma_start3A_33 = tpu.memref_slice %arg7[%dma_start3A, %dma_start3A_32] : memref<10000x128xf32, #tpu.memory_space<hbm>> -> memref<16x128xf32, #tpu.memory_space<hbm>>
          %dma_start3A_34 = arith.constant 9984 : i32
          %dma_start3A_35 = arith.constant 0 : i32
          %dma_start3A_36 = tpu.memref_slice %arg11[%dma_start3A_34, %dma_start3A_35] : memref<10008x128xf32, #tpu.memory_space<vmem_shared>> -> memref<16x128xf32, #tpu.memory_space<vmem_shared>>
          tpu.enqueue_dma source(%dma_start3A_36 : memref<16x128xf32, #tpu.memory_space<vmem_shared>>) target(%dma_start3A_33 : memref<16x128xf32, #tpu.memory_space<hbm>>) target_semaphore(%run_scoped3A : memref<!tpu.dma_semaphore, #tpu.memory_space<semaphore_mem>>)
          %dma_wait3A = arith.constant 9984 : i32
          %dma_wait3A_37 = arith.constant 0 : i32
          %dma_wait3A_38 = tpu.memref_slice %arg7[%dma_wait3A, %dma_wait3A_37] : memref<10000x128xf32, #tpu.memory_space<hbm>> -> memref<16x128xf32, #tpu.memory_space<hbm>>
          %dma_wait3A_39 = arith.constant 9984 : i32
          %dma_wait3A_40 = arith.constant 0 : i32
          %dma_wait3A_41 = tpu.memref_slice %arg11[%dma_wait3A_39, %dma_wait3A_40] : memref<10008x128xf32, #tpu.memory_space<vmem_shared>> -> memref<16x128xf32, #tpu.memory_space<vmem_shared>>
          tpu.wait_dma2 semaphore(%run_scoped3A : memref<!tpu.dma_semaphore, #tpu.memory_space<semaphore_mem>>) src(%dma_wait3A_41 : memref<16x128xf32, #tpu.memory_space<vmem_shared>>) dst(%dma_wait3A_38 : memref<16x128xf32, #tpu.memory_space<hbm>>)
          tpu.yield
        }) : () -> ()
      } else {
      }
    } else {
    }
    return
  }
}

module attributes {stable_mosaic.version = 14 : i64} {
  func.func @_tc_prep_body(%arg0: i32, %arg1: memref<1000x128xf32, #tpu.memory_space<vmem>>, %arg2: memref<128x128xf32, #tpu.memory_space<vmem>>, %arg3: memref<1000x128xf32, #tpu.memory_space<vmem>>, %arg4: memref<1000x128xf32, #tpu.memory_space<vmem>>, %arg5: memref<1000x128xf32, #tpu.memory_space<vmem>>, %arg6: memref<1000x1xf32, #tpu.memory_space<vmem>>) attributes {dimension_semantics = [#tpu.dimension_semantics<arbitrary>], iteration_bounds = array<i64: 10>, scalar_prefetch = 0 : i64, scratch_operands = 0 : i64, tpu.core_type = #tpu.core_type<tc>, window_params = [{transform_indices = @transform_0, window_bounds = array<i64: 1000, 128>}, {pipeline_mode = #tpu.pipeline_mode<synchronous>, transform_indices = @transform_1, window_bounds = array<i64: 128, 128>}, {transform_indices = @transform_2, window_bounds = array<i64: 1000, 128>}, {transform_indices = @transform_3, window_bounds = array<i64: 1000, 128>}, {transform_indices = @transform_4, window_bounds = array<i64: 1000, 128>}, {transform_indices = @transform_5, window_bounds = array<i64: 1000, 1>}]} {
    %get3A = arith.constant 0 : index
    %get3A_0 = arith.constant 0 : index
    %get3A_1 = vector.load %arg3[%get3A, %get3A_0] : memref<1000x128xf32, #tpu.memory_space<vmem>>, vector<1000x1xf32>
    %add3A = arith.constant 1.000000e+00 : f32
    %add3A_2 = vector.broadcast %add3A : f32 to vector<1000x1xf32>
    %add3A_3 = arith.addf %add3A_2, %get3A_1 : vector<1000x1xf32>
    %get3A_4 = arith.constant 0 : index
    %get3A_5 = arith.constant 0 : index
    %get3A_6 = vector.load %arg4[%get3A_4, %get3A_5] : memref<1000x128xf32, #tpu.memory_space<vmem>>, vector<1000x1xf32>
    %add3A_7 = arith.addf %add3A_3, %get3A_6 : vector<1000x1xf32>
    %rsqrt3A = math.rsqrt %add3A_7 : vector<1000x1xf32>
    %get3A_8 = arith.constant 0 : index
    %get3A_9 = arith.constant 0 : index
    %get3A_10 = vector.load %arg1[%get3A_8, %get3A_9] : memref<1000x128xf32, #tpu.memory_space<vmem>>, vector<1000x128xf32>
    %get3A_11 = arith.constant 0 : index
    %get3A_12 = arith.constant 0 : index
    %get3A_13 = vector.load %arg2[%get3A_11, %get3A_12] : memref<128x128xf32, #tpu.memory_space<vmem>>, vector<128x128xf32>
    %dot_general3A = arith.constant dense<0.000000e+00> : vector<1000x128xf32>
    %dot_general3A_14 = tpu.matmul %get3A_10, %get3A_13, %dot_general3A {dimension_numbers = #tpu.dot_dimension_numbers<[1], [0], [0], [1], [0, 0, 1, 1], [], []>, transpose_lhs_hint = false} : vector<1000x128xf32>, vector<128x128xf32>, vector<1000x128xf32> -> vector<1000x128xf32>
    %mul3A = vector.broadcast %rsqrt3A : vector<1000x1xf32> to vector<1000x128xf32>
    %mul3A_15 = arith.mulf %dot_general3A_14, %mul3A : vector<1000x128xf32>
    %swap3A = arith.constant 0 : index
    %swap3A_16 = arith.constant 0 : index
    %swap3A_17 = vector.load %arg5[%swap3A, %swap3A_16] : memref<1000x128xf32, #tpu.memory_space<vmem>>, vector<1000x128xf32>
    tpu.vector_store %arg5[%swap3A, %swap3A_16], %mul3A_15 {strides = array<i32>} : memref<1000x128xf32, #tpu.memory_space<vmem>>, vector<1000x128xf32>,
    %swap3A_18 = arith.constant 0 : index
    %swap3A_19 = arith.constant 0 : index
    %swap3A_20 = vector.load %arg6[%swap3A_18, %swap3A_19] : memref<1000x1xf32, #tpu.memory_space<vmem>>, vector<1000x1xf32>
    tpu.vector_store %arg6[%swap3A_18, %swap3A_19], %rsqrt3A {strides = array<i32>} : memref<1000x1xf32, #tpu.memory_space<vmem>>, vector<1000x1xf32>,
    return
  }
  func.func @transform_0(%arg0: i32) -> (i32, i32) {
    %c0_i32 = arith.constant 0 : i32
    %c0_i32_0 = arith.constant 0 : i32
    return %arg0, %c0_i32 : i32, i32
  }
  func.func @transform_1(%arg0: i32) -> (i32, i32) {
    %c0_i32 = arith.constant 0 : i32
    %c0_i32_0 = arith.constant 0 : i32
    %c0_i32_1 = arith.constant 0 : i32
    return %c0_i32, %c0_i32_0 : i32, i32
  }
  func.func @transform_2(%arg0: i32) -> (i32, i32) {
    %c0_i32 = arith.constant 0 : i32
    %c0_i32_0 = arith.constant 0 : i32
    return %arg0, %c0_i32 : i32, i32
  }
  func.func @transform_3(%arg0: i32) -> (i32, i32) {
    %c0_i32 = arith.constant 0 : i32
    %c0_i32_0 = arith.constant 0 : i32
    return %arg0, %c0_i32 : i32, i32
  }
  func.func @transform_4(%arg0: i32) -> (i32, i32) {
    %c0_i32 = arith.constant 0 : i32
    %c0_i32_0 = arith.constant 0 : i32
    return %arg0, %c0_i32 : i32, i32
  }
  func.func @transform_5(%arg0: i32) -> (i32, i32) {
    %c0_i32 = arith.constant 0 : i32
    %c0_i32_0 = arith.constant 0 : i32
    return %arg0, %c0_i32 : i32, i32
  }
}

module attributes {stable_mosaic.version = 14 : i64} {
  func.func @_tc_comb_body(%arg0: i32, %arg1: memref<1000x128xf32, #tpu.memory_space<vmem>>, %arg2: memref<1000x128xf32, #tpu.memory_space<vmem>>, %arg3: memref<1000x128xf32, #tpu.memory_space<vmem>>, %arg4: memref<1000x1xf32, #tpu.memory_space<vmem>>, %arg5: memref<1x128xf32, #tpu.memory_space<vmem>>, %arg6: memref<1000x128xf32, #tpu.memory_space<vmem>>, %arg7: memref<8x128xf32, #tpu.memory_space<vmem>>) attributes {dimension_semantics = [#tpu.dimension_semantics<arbitrary>], iteration_bounds = array<i64: 10>, scalar_prefetch = 0 : i64, scratch_operands = 0 : i64, tpu.core_type = #tpu.core_type<tc>, window_params = [{transform_indices = @transform_0, window_bounds = array<i64: 1000, 128>}, {transform_indices = @transform_1, window_bounds = array<i64: 1000, 128>}, {transform_indices = @transform_2, window_bounds = array<i64: 1000, 128>}, {transform_indices = @transform_3, window_bounds = array<i64: 1000, 1>}, {pipeline_mode = #tpu.pipeline_mode<synchronous>, transform_indices = @transform_4, window_bounds = array<i64: 1, 128>}, {transform_indices = @transform_5, window_bounds = array<i64: 1000, 128>}, {pipeline_mode = #tpu.pipeline_mode<synchronous>, transform_indices = @transform_6, window_bounds = array<i64: 8, 128>}]} {
    %get3A = arith.constant 0 : index
    %get3A_0 = arith.constant 0 : index
    %get3A_1 = vector.load %arg4[%get3A, %get3A_0] : memref<1000x1xf32, #tpu.memory_space<vmem>>, vector<1000x1xf32>
    %get3A_2 = arith.constant 0 : index
    %get3A_3 = arith.constant 0 : index
    %get3A_4 = vector.load %arg1[%get3A_2, %get3A_3] : memref<1000x128xf32, #tpu.memory_space<vmem>>, vector<1000x128xf32>
    %get3A_5 = arith.constant 0 : index
    %get3A_6 = arith.constant 0 : index
    %get3A_7 = vector.load %arg2[%get3A_5, %get3A_6] : memref<1000x128xf32, #tpu.memory_space<vmem>>, vector<1000x128xf32>
    %add3A = arith.addf %get3A_4, %get3A_7 : vector<1000x128xf32>
    %get3A_8 = arith.constant 0 : index
    %get3A_9 = arith.constant 0 : index
    %get3A_10 = vector.load %arg3[%get3A_8, %get3A_9] : memref<1000x128xf32, #tpu.memory_space<vmem>>, vector<1000x128xf32>
    %add3A_11 = arith.addf %add3A, %get3A_10 : vector<1000x128xf32>
    %mul3A = vector.broadcast %get3A_1 : vector<1000x1xf32> to vector<1000x128xf32>
    %mul3A_12 = arith.mulf %mul3A, %add3A_11 : vector<1000x128xf32>
    %get3A_13 = arith.constant 0 : index
    %get3A_14 = arith.constant 0 : index
    %get3A_15 = vector.load %arg5[%get3A_13, %get3A_14] : memref<1x128xf32, #tpu.memory_space<vmem>>, vector<1x128xf32>
    %add3A_16 = vector.broadcast %get3A_15 : vector<1x128xf32> to vector<1000x128xf32>
    %add3A_17 = arith.addf %mul3A_12, %add3A_16 : vector<1000x128xf32>
    %swap3A = arith.constant 0 : index
    %swap3A_18 = arith.constant 0 : index
    %swap3A_19 = vector.load %arg6[%swap3A, %swap3A_18] : memref<1000x128xf32, #tpu.memory_space<vmem>>, vector<1000x128xf32>
    tpu.vector_store %arg6[%swap3A, %swap3A_18], %add3A_17 {strides = array<i32>} : memref<1000x128xf32, #tpu.memory_space<vmem>>, vector<1000x128xf32>,
    %eq3A = arith.constant 0 : i32
    %eq3A_20 = arith.cmpi eq, %arg0, %eq3A : i32
    %convert_element_type3A = arith.extui %eq3A_20 : i1 to i32
    %cond3A = arith.constant 0 : i32
    %cond3A_21 = arith.cmpi ne, %convert_element_type3A, %cond3A : i32
    scf.if %cond3A_21 {
      %broadcast_in_dim3A_41 = arith.constant 0.000000e+00 : f32
      %broadcast_in_dim3A_42 = vector.broadcast %broadcast_in_dim3A_41 : f32 to vector<8x128xf32>
      %swap3A_43 = arith.constant 0 : index
      %swap3A_44 = arith.constant 0 : index
      %swap3A_45 = vector.load %arg7[%swap3A_43, %swap3A_44] : memref<8x128xf32, #tpu.memory_space<vmem>>, vector<8x128xf32>
      tpu.vector_store %arg7[%swap3A_43, %swap3A_44], %broadcast_in_dim3A_42 {strides = array<i32>} : memref<8x128xf32, #tpu.memory_space<vmem>>, vector<8x128xf32>,
    } else {
    }
    %get3A_22 = arith.constant 0 : index
    %get3A_23 = arith.constant 0 : index
    %get3A_24 = vector.load %arg7[%get3A_22, %get3A_23] : memref<8x128xf32, #tpu.memory_space<vmem>>, vector<1x128xf32>
    %reduce_sum3A = arith.constant dense<0.000000e+00> : vector<128xf32>
    %reduce_sum3A_25 = vector.multi_reduction <add>, %add3A_17, %reduce_sum3A [0] : vector<1000x128xf32> to vector<128xf32>
    %broadcast_in_dim3A = vector.shape_cast %reduce_sum3A_25 : vector<128xf32> to vector<1x128xf32>
    %add3A_26 = arith.addf %get3A_24, %broadcast_in_dim3A : vector<1x128xf32>
    %swap3A_27 = arith.constant 0 : index
    %swap3A_28 = arith.constant 0 : index
    %swap3A_29 = vector.load %arg7[%swap3A_27, %swap3A_28] : memref<8x128xf32, #tpu.memory_space<vmem>>, vector<1x128xf32>
    tpu.vector_store %arg7[%swap3A_27, %swap3A_28], %add3A_26 {strides = array<i32>} : memref<8x128xf32, #tpu.memory_space<vmem>>, vector<1x128xf32>,
    %get3A_30 = arith.constant 1 : index
    %get3A_31 = arith.constant 0 : index
    %get3A_32 = vector.load %arg7[%get3A_30, %get3A_31] : memref<8x128xf32, #tpu.memory_space<vmem>>, vector<1x128xf32>
    %mul3A_33 = arith.mulf %add3A_17, %add3A_17 : vector<1000x128xf32>
    %reduce_sum3A_34 = arith.constant dense<0.000000e+00> : vector<128xf32>
    %reduce_sum3A_35 = vector.multi_reduction <add>, %mul3A_33, %reduce_sum3A_34 [0] : vector<1000x128xf32> to vector<128xf32>
    %broadcast_in_dim3A_36 = vector.shape_cast %reduce_sum3A_35 : vector<128xf32> to vector<1x128xf32>
    %add3A_37 = arith.addf %get3A_32, %broadcast_in_dim3A_36 : vector<1x128xf32>
    %swap3A_38 = arith.constant 1 : index
    %swap3A_39 = arith.constant 0 : index
    %swap3A_40 = vector.load %arg7[%swap3A_38, %swap3A_39] : memref<8x128xf32, #tpu.memory_space<vmem>>, vector<1x128xf32>
    tpu.vector_store %arg7[%swap3A_38, %swap3A_39], %add3A_37 {strides = array<i32>} : memref<8x128xf32, #tpu.memory_space<vmem>>, vector<1x128xf32>,
    return
  }
  func.func @transform_0(%arg0: i32) -> (i32, i32) {
    %c0_i32 = arith.constant 0 : i32
    %c0_i32_0 = arith.constant 0 : i32
    return %arg0, %c0_i32 : i32, i32
  }
  func.func @transform_1(%arg0: i32) -> (i32, i32) {
    %c0_i32 = arith.constant 0 : i32
    %c0_i32_0 = arith.constant 0 : i32
    return %arg0, %c0_i32 : i32, i32
  }
  func.func @transform_2(%arg0: i32) -> (i32, i32) {
    %c0_i32 = arith.constant 0 : i32
    %c0_i32_0 = arith.constant 0 : i32
    return %arg0, %c0_i32 : i32, i32
  }
  func.func @transform_3(%arg0: i32) -> (i32, i32) {
    %c0_i32 = arith.constant 0 : i32
    %c0_i32_0 = arith.constant 0 : i32
    return %arg0, %c0_i32 : i32, i32
  }
  func.func @transform_4(%arg0: i32) -> (i32, i32) {
    %c0_i32 = arith.constant 0 : i32
    %c0_i32_0 = arith.constant 0 : i32
    %c0_i32_1 = arith.constant 0 : i32
    return %c0_i32, %c0_i32_0 : i32, i32
  }
  func.func @transform_5(%arg0: i32) -> (i32, i32) {
    %c0_i32 = arith.constant 0 : i32
    %c0_i32_0 = arith.constant 0 : i32
    return %arg0, %c0_i32 : i32, i32
  }
  func.func @transform_6(%arg0: i32) -> (i32, i32) {
    %c0_i32 = arith.constant 0 : i32
    %c0_i32_0 = arith.constant 0 : i32
    %c0_i32_1 = arith.constant 0 : i32
    return %c0_i32, %c0_i32_0 : i32, i32
  }
}

module attributes {stable_mosaic.version = 14 : i64} {
  func.func @_tc_apply_body(%arg0: i32, %arg1: memref<1000x128xf32, #tpu.memory_space<vmem>>, %arg2: memref<8x128xf32, #tpu.memory_space<vmem>>, %arg3: memref<1x128xf32, #tpu.memory_space<vmem>>, %arg4: memref<1x128xf32, #tpu.memory_space<vmem>>, %arg5: memref<128x128xf32, #tpu.memory_space<vmem>>, %arg6: memref<1000x1xf32, #tpu.memory_space<vmem>>, %arg7: memref<1000x128xf32, #tpu.memory_space<vmem>>) attributes {dimension_semantics = [#tpu.dimension_semantics<arbitrary>], iteration_bounds = array<i64: 10>, scalar_prefetch = 0 : i64, scratch_operands = 0 : i64, tpu.core_type = #tpu.core_type<tc>, window_params = [{transform_indices = @transform_0, window_bounds = array<i64: 1000, 128>}, {pipeline_mode = #tpu.pipeline_mode<synchronous>, transform_indices = @transform_1, window_bounds = array<i64: 8, 128>}, {pipeline_mode = #tpu.pipeline_mode<synchronous>, transform_indices = @transform_2, window_bounds = array<i64: 1, 128>}, {pipeline_mode = #tpu.pipeline_mode<synchronous>, transform_indices = @transform_3, window_bounds = array<i64: 1, 128>}, {pipeline_mode = #tpu.pipeline_mode<synchronous>, transform_indices = @transform_4, window_bounds = array<i64: 128, 128>}, {transform_indices = @transform_5, window_bounds = array<i64: 1000, 1>}, {transform_indices = @transform_6, window_bounds = array<i64: 1000, 128>}]} {
    %get3A = arith.constant 0 : index
    %get3A_0 = arith.constant 0 : index
    %get3A_1 = vector.load %arg2[%get3A, %get3A_0] : memref<8x128xf32, #tpu.memory_space<vmem>>, vector<1x128xf32>
    %mul3A = arith.constant 9.99999974E-5 : f32
    %mul3A_2 = vector.broadcast %mul3A : f32 to vector<1x128xf32>
    %mul3A_3 = arith.mulf %get3A_1, %mul3A_2 : vector<1x128xf32>
    %get3A_4 = arith.constant 1 : index
    %get3A_5 = arith.constant 0 : index
    %get3A_6 = vector.load %arg2[%get3A_4, %get3A_5] : memref<8x128xf32, #tpu.memory_space<vmem>>, vector<1x128xf32>
    %mul3A_7 = arith.constant 9.99999974E-5 : f32
    %mul3A_8 = vector.broadcast %mul3A_7 : f32 to vector<1x128xf32>
    %mul3A_9 = arith.mulf %get3A_6, %mul3A_8 : vector<1x128xf32>
    %mul3A_10 = arith.mulf %mul3A_3, %mul3A_3 : vector<1x128xf32>
    %sub3A = arith.subf %mul3A_9, %mul3A_10 : vector<1x128xf32>
    %get3A_11 = arith.constant 0 : index
    %get3A_12 = arith.constant 0 : index
    %get3A_13 = vector.load %arg1[%get3A_11, %get3A_12] : memref<1000x128xf32, #tpu.memory_space<vmem>>, vector<1000x128xf32>
    %sub3A_14 = vector.broadcast %mul3A_3 : vector<1x128xf32> to vector<1000x128xf32>
    %sub3A_15 = arith.subf %get3A_13, %sub3A_14 : vector<1000x128xf32>
    %add3A = arith.constant 9.99999974E-6 : f32
    %add3A_16 = vector.broadcast %add3A : f32 to vector<1x128xf32>
    %add3A_17 = arith.addf %sub3A, %add3A_16 : vector<1x128xf32>
    %rsqrt3A = math.rsqrt %add3A_17 : vector<1x128xf32>
    %mul3A_18 = vector.broadcast %rsqrt3A : vector<1x128xf32> to vector<1000x128xf32>
    %mul3A_19 = arith.mulf %sub3A_15, %mul3A_18 : vector<1000x128xf32>
    %get3A_20 = arith.constant 0 : index
    %get3A_21 = arith.constant 0 : index
    %get3A_22 = vector.load %arg3[%get3A_20, %get3A_21] : memref<1x128xf32, #tpu.memory_space<vmem>>, vector<1x128xf32>
    %mul3A_23 = vector.broadcast %get3A_22 : vector<1x128xf32> to vector<1000x128xf32>
    %mul3A_24 = arith.mulf %mul3A_19, %mul3A_23 : vector<1000x128xf32>
    %get3A_25 = arith.constant 0 : index
    %get3A_26 = arith.constant 0 : index
    %get3A_27 = vector.load %arg4[%get3A_25, %get3A_26] : memref<1x128xf32, #tpu.memory_space<vmem>>, vector<1x128xf32>
    %add3A_28 = vector.broadcast %get3A_27 : vector<1x128xf32> to vector<1000x128xf32>
    %add3A_29 = arith.addf %mul3A_24, %add3A_28 : vector<1000x128xf32>
    %max3A = arith.constant 0.000000e+00 : f32
    %max3A_30 = vector.broadcast %max3A : f32 to vector<1000x128xf32>
    %max3A_31 = arith.maximumf %add3A_29, %max3A_30 : vector<1000x128xf32>
    %get3A_32 = arith.constant 0 : index
    %get3A_33 = arith.constant 0 : index
    %get3A_34 = vector.load %arg5[%get3A_32, %get3A_33] : memref<128x128xf32, #tpu.memory_space<vmem>>, vector<128x128xf32>
    %dot_general3A = arith.constant dense<0.000000e+00> : vector<1000x128xf32>
    %dot_general3A_35 = tpu.matmul %max3A_31, %get3A_34, %dot_general3A {dimension_numbers = #tpu.dot_dimension_numbers<[1], [0], [0], [1], [0, 0, 1, 1], [], []>, transpose_lhs_hint = false} : vector<1000x128xf32>, vector<128x128xf32>, vector<1000x128xf32> -> vector<1000x128xf32>
    %get3A_36 = arith.constant 0 : index
    %get3A_37 = arith.constant 0 : index
    %get3A_38 = vector.load %arg6[%get3A_36, %get3A_37] : memref<1000x1xf32, #tpu.memory_space<vmem>>, vector<1000x1xf32>
    %mul3A_39 = vector.broadcast %get3A_38 : vector<1000x1xf32> to vector<1000x128xf32>
    %mul3A_40 = arith.mulf %dot_general3A_35, %mul3A_39 : vector<1000x128xf32>
    %swap3A = arith.constant 0 : index
    %swap3A_41 = arith.constant 0 : index
    %swap3A_42 = vector.load %arg7[%swap3A, %swap3A_41] : memref<1000x128xf32, #tpu.memory_space<vmem>>, vector<1000x128xf32>
    tpu.vector_store %arg7[%swap3A, %swap3A_41], %mul3A_40 {strides = array<i32>} : memref<1000x128xf32, #tpu.memory_space<vmem>>, vector<1000x128xf32>,
    return
  }
  func.func @transform_0(%arg0: i32) -> (i32, i32) {
    %c0_i32 = arith.constant 0 : i32
    %c0_i32_0 = arith.constant 0 : i32
    return %arg0, %c0_i32 : i32, i32
  }
  func.func @transform_1(%arg0: i32) -> (i32, i32) {
    %c0_i32 = arith.constant 0 : i32
    %c0_i32_0 = arith.constant 0 : i32
    %c0_i32_1 = arith.constant 0 : i32
    return %c0_i32, %c0_i32_0 : i32, i32
  }
  func.func @transform_2(%arg0: i32) -> (i32, i32) {
    %c0_i32 = arith.constant 0 : i32
    %c0_i32_0 = arith.constant 0 : i32
    %c0_i32_1 = arith.constant 0 : i32
    return %c0_i32, %c0_i32_0 : i32, i32
  }
  func.func @transform_3(%arg0: i32) -> (i32, i32) {
    %c0_i32 = arith.constant 0 : i32
    %c0_i32_0 = arith.constant 0 : i32
    %c0_i32_1 = arith.constant 0 : i32
    return %c0_i32, %c0_i32_0 : i32, i32
  }
  func.func @transform_4(%arg0: i32) -> (i32, i32) {
    %c0_i32 = arith.constant 0 : i32
    %c0_i32_0 = arith.constant 0 : i32
    %c0_i32_1 = arith.constant 0 : i32
    return %c0_i32, %c0_i32_0 : i32, i32
  }
  func.func @transform_5(%arg0: i32) -> (i32, i32) {
    %c0_i32 = arith.constant 0 : i32
    %c0_i32_0 = arith.constant 0 : i32
    return %arg0, %c0_i32 : i32, i32
  }
  func.func @transform_6(%arg0: i32) -> (i32, i32) {
    %c0_i32 = arith.constant 0 : i32
    %c0_i32_0 = arith.constant 0 : i32
    return %arg0, %c0_i32 : i32, i32
  }
}

module attributes {stable_mosaic.version = 14 : i64} {
  func.func @_tc_finish_body(%arg0: i32, %arg1: memref<1000x128xf32, #tpu.memory_space<vmem>>, %arg2: memref<8x128xf32, #tpu.memory_space<vmem>>, %arg3: memref<1x128xf32, #tpu.memory_space<vmem>>, %arg4: memref<1x128xf32, #tpu.memory_space<vmem>>, %arg5: memref<1x1x1000xi32, #tpu.memory_space<vmem>>, %arg6: memref<128x64xf32, #tpu.memory_space<vmem>>, %arg7: memref<1x64xf32, #tpu.memory_space<vmem>>, %arg8: memref<64x64xf32, #tpu.memory_space<vmem>>, %arg9: memref<64x128xf32, #tpu.memory_space<vmem>>, %arg10: memref<64x128xf32, #tpu.memory_space<vmem>>) attributes {dimension_semantics = [#tpu.dimension_semantics<arbitrary>], iteration_bounds = array<i64: 10>, scalar_prefetch = 0 : i64, scratch_operands = 2 : i64, tpu.core_type = #tpu.core_type<tc>, window_params = [{transform_indices = @transform_0, window_bounds = array<i64: 1000, 128>}, {pipeline_mode = #tpu.pipeline_mode<synchronous>, transform_indices = @transform_1, window_bounds = array<i64: 8, 128>}, {pipeline_mode = #tpu.pipeline_mode<synchronous>, transform_indices = @transform_2, window_bounds = array<i64: 1, 128>}, {pipeline_mode = #tpu.pipeline_mode<synchronous>, transform_indices = @transform_3, window_bounds = array<i64: 1, 128>}, {transform_indices = @transform_4, window_bounds = array<i64: 1, 1, 1000>}, {pipeline_mode = #tpu.pipeline_mode<synchronous>, transform_indices = @transform_5, window_bounds = array<i64: 128, 64>}, {pipeline_mode = #tpu.pipeline_mode<synchronous>, transform_indices = @transform_6, window_bounds = array<i64: 1, 64>}, {pipeline_mode = #tpu.pipeline_mode<synchronous>, transform_indices = @transform_7, window_bounds = array<i64: 64, 64>}]} {
    %get3A = arith.constant 0 : index
    %get3A_0 = arith.constant 0 : index
    %get3A_1 = vector.load %arg2[%get3A, %get3A_0] : memref<8x128xf32, #tpu.memory_space<vmem>>, vector<1x128xf32>
    %mul3A = arith.constant 9.99999974E-5 : f32
    %mul3A_2 = vector.broadcast %mul3A : f32 to vector<1x128xf32>
    %mul3A_3 = arith.mulf %get3A_1, %mul3A_2 : vector<1x128xf32>
    %get3A_4 = arith.constant 1 : index
    %get3A_5 = arith.constant 0 : index
    %get3A_6 = vector.load %arg2[%get3A_4, %get3A_5] : memref<8x128xf32, #tpu.memory_space<vmem>>, vector<1x128xf32>
    %mul3A_7 = arith.constant 9.99999974E-5 : f32
    %mul3A_8 = vector.broadcast %mul3A_7 : f32 to vector<1x128xf32>
    %mul3A_9 = arith.mulf %get3A_6, %mul3A_8 : vector<1x128xf32>
    %mul3A_10 = arith.mulf %mul3A_3, %mul3A_3 : vector<1x128xf32>
    %sub3A = arith.subf %mul3A_9, %mul3A_10 : vector<1x128xf32>
    %get3A_11 = arith.constant 0 : index
    %get3A_12 = arith.constant 0 : index
    %get3A_13 = vector.load %arg1[%get3A_11, %get3A_12] : memref<1000x128xf32, #tpu.memory_space<vmem>>, vector<1000x128xf32>
    %sub3A_14 = vector.broadcast %mul3A_3 : vector<1x128xf32> to vector<1000x128xf32>
    %sub3A_15 = arith.subf %get3A_13, %sub3A_14 : vector<1000x128xf32>
    %add3A = arith.constant 9.99999974E-6 : f32
    %add3A_16 = vector.broadcast %add3A : f32 to vector<1x128xf32>
    %add3A_17 = arith.addf %sub3A, %add3A_16 : vector<1x128xf32>
    %rsqrt3A = math.rsqrt %add3A_17 : vector<1x128xf32>
    %mul3A_18 = vector.broadcast %rsqrt3A : vector<1x128xf32> to vector<1000x128xf32>
    %mul3A_19 = arith.mulf %sub3A_15, %mul3A_18 : vector<1000x128xf32>
    %get3A_20 = arith.constant 0 : index
    %get3A_21 = arith.constant 0 : index
    %get3A_22 = vector.load %arg3[%get3A_20, %get3A_21] : memref<1x128xf32, #tpu.memory_space<vmem>>, vector<1x128xf32>
    %mul3A_23 = vector.broadcast %get3A_22 : vector<1x128xf32> to vector<1000x128xf32>
    %mul3A_24 = arith.mulf %mul3A_19, %mul3A_23 : vector<1000x128xf32>
    %get3A_25 = arith.constant 0 : index
    %get3A_26 = arith.constant 0 : index
    %get3A_27 = vector.load %arg4[%get3A_25, %get3A_26] : memref<1x128xf32, #tpu.memory_space<vmem>>, vector<1x128xf32>
    %add3A_28 = vector.broadcast %get3A_27 : vector<1x128xf32> to vector<1000x128xf32>
    %add3A_29 = arith.addf %mul3A_24, %add3A_28 : vector<1000x128xf32>
    %max3A = arith.constant 0.000000e+00 : f32
    %max3A_30 = vector.broadcast %max3A : f32 to vector<1000x128xf32>
    %max3A_31 = arith.maximumf %add3A_29, %max3A_30 : vector<1000x128xf32>
    %get3A_32 = arith.constant 0 : index
    %get3A_33 = arith.constant 0 : index
    %get3A_34 = arith.constant 0 : index
    %get3A_35 = vector.load %arg5[%get3A_32, %get3A_33, %get3A_34] : memref<1x1x1000xi32, #tpu.memory_space<vmem>>, vector<1x1x1000xi32>
    %get3A_36 = vector.shape_cast %get3A_35 : vector<1x1x1000xi32> to vector<1000xi32>
    %broadcast_in_dim3A = vector.shape_cast %get3A_36 : vector<1000xi32> to vector<1x1000xi32>
    %iota3A = tpu.iota {dimensions = array<i32: 0>} : vector<64x1000xi32>
    %eq3A = vector.broadcast %broadcast_in_dim3A : vector<1x1000xi32> to vector<64x1000xi32>
    %eq3A_37 = arith.cmpi eq, %eq3A, %iota3A : vector<64x1000xi32>
    %convert_element_type3A = arith.extui %eq3A_37 : vector<64x1000xi1> to vector<64x1000xi32>
    %convert_element_type3A_38 = arith.sitofp %convert_element_type3A : vector<64x1000xi32> to vector<64x1000xf32>
    %eq3A_39 = arith.constant 0 : i32
    %eq3A_40 = arith.cmpi eq, %arg0, %eq3A_39 : i32
    %convert_element_type3A_41 = arith.extui %eq3A_40 : i1 to i32
    %cond3A = arith.constant 0 : i32
    %cond3A_42 = arith.cmpi ne, %convert_element_type3A_41, %cond3A : i32
    scf.if %cond3A_42 {
      %broadcast_in_dim3A_65 = arith.constant 0.000000e+00 : f32
      %broadcast_in_dim3A_66 = vector.broadcast %broadcast_in_dim3A_65 : f32 to vector<64x128xf32>
      %swap3A_67 = arith.constant 0 : index
      %swap3A_68 = arith.constant 0 : index
      %swap3A_69 = vector.load %arg9[%swap3A_67, %swap3A_68] : memref<64x128xf32, #tpu.memory_space<vmem>>, vector<64x128xf32>
      tpu.vector_store %arg9[%swap3A_67, %swap3A_68], %broadcast_in_dim3A_66 {strides = array<i32>} : memref<64x128xf32, #tpu.memory_space<vmem>>, vector<64x128xf32>,
      %broadcast_in_dim3A_70 = arith.constant 0.000000e+00 : f32
      %broadcast_in_dim3A_71 = vector.broadcast %broadcast_in_dim3A_70 : f32 to vector<64x128xf32>
      %swap3A_72 = arith.constant 0 : index
      %swap3A_73 = arith.constant 0 : index
      %swap3A_74 = vector.load %arg10[%swap3A_72, %swap3A_73] : memref<64x128xf32, #tpu.memory_space<vmem>>, vector<64x128xf32>
      tpu.vector_store %arg10[%swap3A_72, %swap3A_73], %broadcast_in_dim3A_71 {strides = array<i32>} : memref<64x128xf32, #tpu.memory_space<vmem>>, vector<64x128xf32>,
    } else {
    }
    %get3A_43 = arith.constant 0 : index
    %get3A_44 = arith.constant 0 : index
    %get3A_45 = vector.load %arg9[%get3A_43, %get3A_44] : memref<64x128xf32, #tpu.memory_space<vmem>>, vector<64x128xf32>
    %dot_general3A = arith.constant dense<0.000000e+00> : vector<64x128xf32>
    %dot_general3A_46 = tpu.matmul %convert_element_type3A_38, %max3A_31, %dot_general3A {dimension_numbers = #tpu.dot_dimension_numbers<[1], [0], [0], [1], [0, 0, 1, 1], [], []>, transpose_lhs_hint = false} : vector<64x1000xf32>, vector<1000x128xf32>, vector<64x128xf32> -> vector<64x128xf32>
    %add3A_47 = arith.addf %get3A_45, %dot_general3A_46 : vector<64x128xf32>
    %swap3A = arith.constant 0 : index
    %swap3A_48 = arith.constant 0 : index
    %swap3A_49 = vector.load %arg9[%swap3A, %swap3A_48] : memref<64x128xf32, #tpu.memory_space<vmem>>, vector<64x128xf32>
    tpu.vector_store %arg9[%swap3A, %swap3A_48], %add3A_47 {strides = array<i32>} : memref<64x128xf32, #tpu.memory_space<vmem>>, vector<64x128xf32>,
    %get3A_50 = arith.constant 0 : index
    %get3A_51 = arith.constant 0 : index
    %get3A_52 = vector.load %arg10[%get3A_50, %get3A_51] : memref<64x128xf32, #tpu.memory_space<vmem>>, vector<64x128xf32>
    %reduce_sum3A = arith.constant dense<0.000000e+00> : vector<64xf32>
    %reduce_sum3A_53 = vector.multi_reduction <add>, %convert_element_type3A_38, %reduce_sum3A [1] : vector<64x1000xf32> to vector<64xf32>
    %broadcast_in_dim3A_54 = vector.shape_cast %reduce_sum3A_53 : vector<64xf32> to vector<64x1xf32>
    %add3A_55 = vector.broadcast %broadcast_in_dim3A_54 : vector<64x1xf32> to vector<64x128xf32>
    %add3A_56 = arith.addf %get3A_52, %add3A_55 : vector<64x128xf32>
    %swap3A_57 = arith.constant 0 : index
    %swap3A_58 = arith.constant 0 : index
    %swap3A_59 = vector.load %arg10[%swap3A_57, %swap3A_58] : memref<64x128xf32, #tpu.memory_space<vmem>>, vector<64x128xf32>
    tpu.vector_store %arg10[%swap3A_57, %swap3A_58], %add3A_56 {strides = array<i32>} : memref<64x128xf32, #tpu.memory_space<vmem>>, vector<64x128xf32>,
    %eq3A_60 = arith.constant 9 : i32
    %eq3A_61 = arith.cmpi eq, %arg0, %eq3A_60 : i32
    %convert_element_type3A_62 = arith.extui %eq3A_61 : i1 to i32
    %cond3A_63 = arith.constant 0 : i32
    %cond3A_64 = arith.cmpi ne, %convert_element_type3A_62, %cond3A_63 : i32
    scf.if %cond3A_64 {
      %get3A_65 = arith.constant 0 : index
      %get3A_66 = arith.constant 0 : index
      %get3A_67 = vector.load %arg9[%get3A_65, %get3A_66] : memref<64x128xf32, #tpu.memory_space<vmem>>, vector<64x128xf32>
      %get3A_68 = arith.constant 0 : index
      %get3A_69 = arith.constant 0 : index
      %get3A_70 = vector.load %arg10[%get3A_68, %get3A_69] : memref<64x128xf32, #tpu.memory_space<vmem>>, vector<64x128xf32>
      %max3A_71 = arith.constant 1.000000e+00 : f32
      %max3A_72 = vector.broadcast %max3A_71 : f32 to vector<64x128xf32>
      %max3A_73 = arith.maximumf %get3A_70, %max3A_72 : vector<64x128xf32>
      %div3A = arith.divf %get3A_67, %max3A_73 : vector<64x128xf32>
      %get3A_74 = arith.constant 0 : index
      %get3A_75 = arith.constant 0 : index
      %get3A_76 = vector.load %arg6[%get3A_74, %get3A_75] : memref<128x64xf32, #tpu.memory_space<vmem>>, vector<128x64xf32>
      %dot_general3A_77 = arith.constant dense<0.000000e+00> : vector<64x64xf32>
      %dot_general3A_78 = tpu.matmul %div3A, %get3A_76, %dot_general3A_77 {dimension_numbers = #tpu.dot_dimension_numbers<[1], [0], [0], [1], [0, 0, 1, 1], [], []>, transpose_lhs_hint = false} : vector<64x128xf32>, vector<128x64xf32>, vector<64x64xf32> -> vector<64x64xf32>
      %get3A_79 = arith.constant 0 : index
      %get3A_80 = arith.constant 0 : index
      %get3A_81 = vector.load %arg7[%get3A_79, %get3A_80] : memref<1x64xf32, #tpu.memory_space<vmem>>, vector<1x64xf32>
      %add3A_82 = vector.broadcast %get3A_81 : vector<1x64xf32> to vector<64x64xf32>
      %add3A_83 = arith.addf %dot_general3A_78, %add3A_82 : vector<64x64xf32>
      %swap3A_84 = arith.constant 0 : index
      %swap3A_85 = arith.constant 0 : index
      %swap3A_86 = vector.load %arg8[%swap3A_84, %swap3A_85] : memref<64x64xf32, #tpu.memory_space<vmem>>, vector<64x64xf32>
      tpu.vector_store %arg8[%swap3A_84, %swap3A_85], %add3A_83 {strides = array<i32>} : memref<64x64xf32, #tpu.memory_space<vmem>>, vector<64x64xf32>,
    } else {
    }
    return
  }
  func.func @transform_0(%arg0: i32) -> (i32, i32) {
    %c0_i32 = arith.constant 0 : i32
    %c0_i32_0 = arith.constant 0 : i32
    return %arg0, %c0_i32 : i32, i32
  }
  func.func @transform_1(%arg0: i32) -> (i32, i32) {
    %c0_i32 = arith.constant 0 : i32
    %c0_i32_0 = arith.constant 0 : i32
    %c0_i32_1 = arith.constant 0 : i32
    return %c0_i32, %c0_i32_0 : i32, i32
  }
  func.func @transform_2(%arg0: i32) -> (i32, i32) {
    %c0_i32 = arith.constant 0 : i32
    %c0_i32_0 = arith.constant 0 : i32
    %c0_i32_1 = arith.constant 0 : i32
    return %c0_i32, %c0_i32_0 : i32, i32
  }
  func.func @transform_3(%arg0: i32) -> (i32, i32) {
    %c0_i32 = arith.constant 0 : i32
    %c0_i32_0 = arith.constant 0 : i32
    %c0_i32_1 = arith.constant 0 : i32
    return %c0_i32, %c0_i32_0 : i32, i32
  }
  func.func @transform_4(%arg0: i32) -> (i32, i32, i32) {
    %c0_i32 = arith.constant 0 : i32
    %c0_i32_0 = arith.constant 0 : i32
    %c0_i32_1 = arith.constant 0 : i32
    return %arg0, %c0_i32, %c0_i32_0 : i32, i32, i32
  }
  func.func @transform_5(%arg0: i32) -> (i32, i32) {
    %c0_i32 = arith.constant 0 : i32
    %c0_i32_0 = arith.constant 0 : i32
    %c0_i32_1 = arith.constant 0 : i32
    return %c0_i32, %c0_i32_0 : i32, i32
  }
  func.func @transform_6(%arg0: i32) -> (i32, i32) {
    %c0_i32 = arith.constant 0 : i32
    %c0_i32_0 = arith.constant 0 : i32
    %c0_i32_1 = arith.constant 0 : i32
    return %c0_i32, %c0_i32_0 : i32, i32
  }
  func.func @transform_7(%arg0: i32) -> (i32, i32) {
    %c0_i32 = arith.constant 0 : i32
    %c0_i32_0 = arith.constant 0 : i32
    %c0_i32_1 = arith.constant 0 : i32
    return %c0_i32, %c0_i32_0 : i32, i32
  }
}

</mosaic_0001>

<sc_bundles>
// kernel: kernel.10.cloned.1.call-start
scs
__scs_entry_jumppad:
0x0: {  	(pc) =	sbr.rel $0x88, $3  }
0x1: {  	(tag) =	ssettag $0x0;
	lr =	simm.s32 $0x1  }
0x2: {  	[smem:$0x3F94] =	sst lr;
	_ =	strace $0xD0000000  }
0x3: {  	_ = 	snop  }
0x4: {  	_ = 	snop  }
0x5: {  	_ = 	snop  }
0x6: {  	_ = 	snop  }
0x7: {  	_ = 	snop  }
__scs_overlays_trampoline_lowered:
0x8: {  	[smem:$0x3FA3] =	sst s0  }
0x9: {  	[smem:$0x3FA4] =	sst s1  }
0xa: {  	[smem:$0x3FA5] =	sst s2  }
0xb: {  	[smem:$0x3FA6] =	sst s3  }
0xc: {  	[smem:$0x3FA7] =	sst s4  }
0xd: {  	[smem:$0x3FA8] =	sst s5  }
0xe: {  	[smem:$0x3FA9] =	sst s6  }
0xf: {  	[smem:$0x3FAA] =	sst s7  }
0x10: {  	[smem:$0x3FAB] =	sst s8  }
0x11: {  	[smem:$0x3FAC] =	sst s9;
	s0 =	simm.s32 @!p0 $0x0  }
0x12: {  	s1 =	sld [smem:$0x3F92];
	s0 =	simm.s32 @p0 $0x1  }
0x13: {  	[smem:$0x3FAD] =	sst s0;
	s0 =	simm.s32 @!p1 $0x0  }
0x14: {  	s2 =	sld [smem:$0x3F91];
	s0 =	simm.s32 @p1 $0x1  }
0x15: {  	[smem:$0x3FAE] =	sst s0;
	s0 =	simm.s32 @!p2 $0x0  }
0x16: {  	s3 =	sld [smem:$0x3FDB];
	s0 =	simm.s32 @p2 $0x1  }
0x17: {  	s4 =	simm.s32 $0x1BF5;
	[smem:$0x3FB0] =	sst s0  }
0x18: {  	s0 =	sld [smem:$0x3F93];
	_ =	swait.ge [sflag:s4], $0x0  }
0x19: {  	s7 =	sld [smem:$0x3F94]  }
0x1a: {  	s8 =	sadd.s32 $0xFFFFE003, lr  }
0x1b: {  	s9 =	sadd.s32 $0xFFFFFEF7, lr;
	s5 =	simm.s32 $0xFFFFFFFF;
	p2 =	slt.u32 s8, $0xFFFFF086  }
0x1c: {  	p1 =	slt.u32 s9, $0xF7A;
	s5 =	simm.s32 @!p2 $0x0  }
0x1d: {  	s5 =	simm.s32 @p1 $0x1;
	p0 =	seq.s32 s7, s2  }
0x1e: {  	s7 =	smul.u32 @!p0 $0xF7A, s2;
	p2 =	seq.s32 @!p0 s5, $0x0  }
0x1f: {  	s9 =	smul.u32 $0xF7A, s1;
	s8 =	simm.s32 @!p0 $0x1BF5;
	p2 =	por !p2, p0  }
0x20: {  	[sflag:s8] =	ssyncset.s32 @!p0 $0xFFFFF086;
	s6 =	sadd.s32 @!p0 s3, s7;
	s7 =	simm.s32 @!p0 $0x108  }
0x21: {  	s3 =	sadd.s32 s3, s9;
	s6 =	sadd.s32 @!p0 $0x88, s6;
	s7 =	simm.s32 @p2 $0x1082  }
0x22: {  	[simem:s7], [sflag:s8] =	dma.local @!p0 [hbm:s6], $0xF7A  }
0x23: {  	s9 =	sor.u32 $0xD0000000, s2;
	s6 =	simm.s32 $0x108;
	_ =	swait.ge @!p0 [sflag:s8], $0x0  }
0x24: {  	s3 =	sadd.s32 $0x88, s3;
	s6 =	simm.s32 @!p1 $0x1082;
	[sflag:s4] =	ssyncset.s32 $0xFFFFF086  }
0x25: {  	[simem:s6], [sflag:s4] =	dma.local [hbm:s3], $0xF7A  }
0x26: {  	[smem:$0x3F94] =	sst s1;
	(tag) =	ssettag s2;
	_ =	strace s9  }
0x27: {  	s1 =	sld [smem:$0x3FA4]  }
0x28: {  	s2 =	sld [smem:$0x3FA5]  }
0x29: {  	s4 =	sld [smem:$0x3FA7]  }
0x2a: {  	p0 =	seq.s32 s5, $0x0;
	s5 =	sld [smem:$0x3FA8]  }
0x2b: {  	s6 =	sld [smem:$0x3FA9]  }
0x2c: {  	s7 =	sld [smem:$0x3FAA]  }
0x2d: {  	s3 =	simm.s32 $0x108;
	s8 =	sld [smem:$0x3FAB]  }
0x2e: {  	s3 =	simm.s32 @!p0 $0x1082;
	s9 =	sld [smem:$0x3FAC]  }
0x2f: {  	lr =	sadd.s32 s0, s3;
	s0 =	sld [smem:$0x3FA3]  }
0x30: {  	s3 =	sld [smem:$0x3FA6]  }
0x31: {  	[smem:$0x3FAF] =	sst s10  }
0x32: {  	s10 =	sld [smem:$0x3FAD];
	_ =	sdelay $0x3  }
0x33: {  	p0 =	seq.s32 s10, $0x1;
	s10 =	sld [smem:$0x3FAF];
	_ =	sdelay $0x3  }
0x34: {  	[smem:$0x3FAF] =	sst s10  }
0x35: {  	s10 =	sld [smem:$0x3FAE];
	_ =	sdelay $0x3  }
0x36: {  	p1 =	seq.s32 s10, $0x1;
	s10 =	sld [smem:$0x3FAF];
	_ =	sdelay $0x3  }
0x37: {  	[smem:$0x3FAF] =	sst s10  }
0x38: {  	s10 =	sld [smem:$0x3FB0]  }
0x39: {  	_ = 	snop;
	(pc) =	sbr.ind lr, $3  }
0x3a: {  	_ = 	snop  }
0x3b: {  	_ = 	snop  }
0x3c: {  	p2 =	seq.s32 s10, $0x1;
	s10 =	sld [smem:$0x3FAF]  }
0x3d: {  	_ =	shalt  }
0x3e: {  	_ =	shalt  }
0x3f: {  	_ =	shalt  }
0x40: {  	_ =	shalt  }
0x41: {  	_ =	shalt  }
0x42: {  	_ =	shalt  }
0x43: {  	_ =	shalt  }
0x44: {  	_ =	shalt  }
0x45: {  	_ =	shalt  }
0x46: {  	_ =	shalt  }
0x47: {  	_ =	shalt  }
0x48: {  	_ =	shalt  }
0x49: {  	_ =	shalt  }
0x4a: {  	_ =	shalt  }
0x4b: {  	_ =	shalt  }
0x4c: {  	_ =	shalt  }
0x4d: {  	_ =	shalt  }
0x4e: {  	_ =	shalt  }
0x4f: {  	_ =	shalt  }
0x50: {  	_ =	shalt  }
0x51: {  	_ =	shalt  }
0x52: {  	_ =	shalt  }
0x53: {  	_ =	shalt  }
0x54: {  	_ =	shalt  }
0x55: {  	_ =	shalt  }
0x56: {  	_ =	shalt  }
0x57: {  	_ =	shalt  }
0x58: {  	_ =	shalt  }
0x59: {  	_ =	shalt  }
0x5a: {  	_ =	shalt  }
0x5b: {  	_ =	shalt  }
0x5c: {  	_ =	shalt  }
0x5d: {  	_ =	shalt  }
0x5e: {  	_ =	shalt  }
0x5f: {  	_ =	shalt  }
0x60: {  	_ =	shalt  }
0x61: {  	_ =	shalt  }
0x62: {  	_ =	shalt  }
0x63: {  	_ =	shalt  }
0x64: {  	_ =	shalt  }
0x65: {  	_ =	shalt  }
0x66: {  	_ =	shalt  }
0x67: {  	_ =	shalt  }
0x68: {  	_ =	shalt  }
0x69: {  	_ =	shalt  }
0x6a: {  	_ =	shalt  }
0x6b: {  	_ =	shalt  }
0x6c: {  	_ =	shalt  }
0x6d: {  	_ =	shalt  }
0x6e: {  	_ =	shalt  }
0x6f: {  	_ =	shalt  }
0x70: {  	_ =	shalt  }
0x71: {  	_ =	shalt  }
0x72: {  	_ =	shalt  }
0x73: {  	_ =	shalt  }
0x74: {  	_ =	shalt  }
0x75: {  	_ =	shalt  }
0x76: {  	_ =	shalt  }
0x77: {  	_ =	shalt  }
0x78: {  	_ =	shalt  }
0x79: {  	_ =	shalt  }
0x7a: {  	_ =	shalt  }
0x7b: {  	_ =	shalt  }
0x7c: {  	_ =	shalt  }
0x7d: {  	_ =	shalt  }
0x7e: {  	_ =	shalt  }
0x7f: {  	_ =	shalt  }
0x80: {  	_ =	shalt  }
0x81: {  	_ =	shalt  }
0x82: {  	_ =	shalt  }
0x83: {  	_ =	shalt  }
0x84: {  	_ =	shalt  }
0x85: {  	_ =	shalt  }
0x86: {  	_ =	shalt  }
0x87: {  	_ =	shalt  }
.Lfunc_end0:
.L_simem_size_0:
called_computation_lowered:
.L_overlay_start_0:
0x88: {  	s2 =	sld [smem:$0x3FD9]  }
0x89: {  	s3 =	sld [smem:$0x3FFE];
	_ =	sdelay $0x1  }
0x8a: {  	s1 =	srdreg.scid  }
0x8b: {  	s0 =	sand.u32 $0x1, s1  }
0x8c: {  	s16 =	sshll.u32 s0, $0xA;
	s2 =	sadd.s32 s3, s2  }
0x8d: {  	s2 =	sadd.s32 s2, s16  }
0x8e: {  	[smem:$0x3FBB] =	sst s2  }
0x8f: {  	_ = 	snop  }
0x90: {  	(tm) =	ssettm $0x1  }
0x91: {  	s17 =	sld [smem:$0x3FFB];
	_ =	sdelay $0x3  }
0x92: {  	_ =	strace s17  }
0x93: {  	s2 =	sld [smem:$0x3FFC];
	_ =	sdelay $0x3  }
0x94: {  	_ =	strace s2  }
0x95: {  	s2 =	sld [smem:$0x3FFD];
	_ =	sdelay $0x3  }
0x96: {  	_ =	strace s2  }
0x97: {  	_ =	strace $0x8FFFFFFF  }
0x98: {  	s18 =	sld [smem:$0x3FDB];
	_ =	sdelay $0x1  }
0x99: {  	s19 =	simm.s32 $_scs_section_size  }
0x9a: {  	s4 =	simm.s32 $_size__tile_overlayer_lowered;
	s5 =	simm.s32 $_tile_overlayer_lowered  }
0x9b: {  	s22 =	simm.s32 $0x1BFF;
	s21 =	sshll.u32 s5, $0x1;
	s2 =	sadd.s32 s19, s18  }
0x9c: {  	s6 =	simm.s32 $0x0;
	s20 =	sshll.u32 s4, $0x1;
	s4 =	sadd.s32 s21, s2  }
0x9d: {  	[timem:s6], [sflag:s22] =	dma.local [hbm:s4], s20  }
0x9e: {  	_ =	swait.ge [sflag:s22], s20  }
0x9f: {  	s3 =	ssub.s32 $0x0, s20;
	[sflag:s22] =	ssyncset.done $0x0  }
0xa0: {  	[sflag:s22] =	ssyncadd.s32 s3;
	_ =	sdelay $0x1  }
0xa1: {  	s23 =	simm.s32 $0x1B8B  }
0xa2: {  	_ =	swait.ge [sflag:s23], $0x1  }
0xa3: {  	[sflag:s23] =	ssyncset.done $0x0  }
0xa4: {  	s25 =	simm.s32 $0x1B8E;
	s24 =	sld [smem:$0x3FFE];
	[sflag:s23] =	ssyncadd.s32 $0xFFFFFFFF  }
0xa5: {  	s26 =	simm.s32 $execute0_lowered;
	[smem:$0x3FD2] =	sst s25  }
0xa6: {  	s4 =	sshll.u32 s26, $0x1;
	_ =	strace $0x80000046;
	[dreg:$0x1] =	wrdreg $0xFFFFFFFF  }
0xa7: {  	s28 =	simm.s32 $_size_execute0_lowered;
	s2 =	sadd.s32 s2, s4;
	[dreg:$0x0] =	wrdreg $0x0  }
0xa8: {  	s4 =	sshll.u32 s28, $0x1;
	[dreg:$0x2] =	wrdreg s2  }
0xa9: {  	[dreg:$0x3] =	wrdreg s4  }
0xaa: {  	[dreg:$0x4] =	wrdreg $0xC0  }
0xab: {  	_ =	task [dreg:s6], $0x5FFFF  }
0xac: {  	[dreg:$0x1] =	wrdreg $0xFFFFFFFF  }
0xad: {  	[dreg:$0x0] =	wrdreg $0x60  }
0xae: {  	[dreg:$0x2] =	wrdreg s24  }
0xaf: {  	[dreg:$0x3] =	wrdreg $0x40800  }
0xb0: {  	[dreg:$0x4] =	wrdreg $0x9  }
0xb1: {  	_ =	task.clear_ibuf [dreg:s6], $0x5FFFF;
	_ =	strace $0x90000046  }
0xb2: {  	s29 =	simm.s32 $0x9;
	_ =	strace $0x80000048  }
0xb3: {  	_ =	swait.ge [sflag:s29], $0x1  }
0xb4: {  	[sflag:s29] =	ssyncadd.s32 $0xFFFFFFFF  }
0xb5: {  	_ =	strace $0x90000048  }
0xb6: {  	_ =	sfence  }
0xb7: {  	s30 =	sld [smem:$0x0];
	_ =	sdelay $0x2  }
0xb8: {  	s31 =	sshll.u32 s1, $0xD;
	s1 =	sshrl.u32 s1, $0x2  }
0xb9: {  	s3 =	sand.u32 $0x4000, s31;
	s1 =	sadd.s32 s1, s30  }
0xba: {  	s0 =	sor.u32 s3, s0;
	s1 =	sshll.u32 s1, $0x11  }
0xbb: {  	s0 =	sor.u32 s1, s0  }
0xbc: {  	s0 =	sadd.s32 $0x8F2B, s0  }
0xbd: {  	[sflag:s0] =	ssyncadd.remote.s32 $0x1  }
0xbe: {  	_ =	sfence.sel $0xFFFF  }
0xbf: {  	[dreg:$0x0] =	wrdreg $0xFFFFFFFF;
	(pc) =	sbr.abs _section_cstart, $3  }
0xc0: {  	[dreg:$0x1] =	wrdreg $0xFFFFFFFF  }
0xc1: {  	_ =	task.clear_ibuf [dreg:s6], $0x2FFFF;
	_ =	strace $0x9FFFFFFF  }
0xc2: {  	(tm) =	ssettm $0x7FFFFFFF  }
0xc3: {  	_ =	shalt  }
tec
execute0_lowered:
.L_overlay_start_1:
0x0: {  	(tag) =	ssettag $0x1  }
0x1: {  	s7 =	rddreg [dreg:$0x0]  }
0x2: {  	s0 =	srdreg.scid;
	s1 =	rddreg [dreg:$0x1]  }
0x3: {  	s2 =	simm.s32 $0x0;
	s8 =	sand.u32 $0x1, s0;
	s0 =	rddreg [dreg:$0x2]  }
0x4: {  	s18 =	simm.s32 $0x0;
	[smem:$0x7FF] =	sst s2  }
0x5: {  	s4 =	sadd.s32 $0x19400, s7;
	s5 =	sadd.s32 $0x1BC00, s7;
	s3 =	smul.u32 $0x4F00, s8  }
0x6: {  	s6 =	sadd.s32 $0x1C400, s7;
	s17 =	sadd.s32 $0x138000, s1;
	_ =	strace $0x80000047  }
0x7: {  	s9 =	ssub.s32 $0x2, s8;
	s10 =	sadd.s32 s3, s7;
	s3 =	stileid.u32  }
0x8: {  	p0 =	seq.s32 s8, $0x1;
	s12 =	sshrl.u32 s9, $0x1;
	s11 =	smul.u32 $0x4E000, s3  }
0x9: {  	s7 =	sadd.s32 $0x43600, s7;
	s12 =	ssub.s32 s9, s12;
	s13 =	smul.u32 $0x2700, s3  }
0xa: {  	s31 =	smul.u32 $0x4F0, s3;
	p1 =	sne.s32 s3, $0xF;
	s14 =	sshll.u32 s3, $0x6  }
.Ltmp0:
0xb: {  	p2 =	seq.s32 s3, $0xF;
	s14 =	sor.u32 $0x1C01, s14;
	(pc) =	sbr.rel .LBB2_1-.Ltmp0, $4  }
0xc: {  	s16 =	sshrl.u32 @!p1 s17, $0x3;
	s17 =	sshrl.u32 s17, $0x3;
	s30 =	sshrl.u32 s11, $0x2  }
0xd: {  	s8 =	sadd.s32 s6, s13;
	s9 =	sadd.s32 s7, s13;
	s11 =	sadd.s32 s31, s10  }
0xe: {  	s10 =	smax.u32 s12, $0x1;
	s12 =	simm.s32 $0x80;
	s15 =	sadd.s32 s30, s1  }
0xf: {  	s13 =	simm.s32 $0x1;
	s11 =	sadd.s32 $0x5800, s11;
	s15 =	sshrl.u32 s15, $0x3  }
.LBB2_6:
0x10: {  	s19 =	sadd.s32 $0x27000, s19  }
0x11: {  	[hbm:s19], [sflag:s14] =	dma.local [spmem:s17], $0x100  }
0x12: {  	_ =	swait.ge [sflag:s13], $0x100  }
0x13: {  	[sflag:s13] =	ssyncset.done $0x0  }
0x14: {  	[sflag:s13] =	ssyncadd.s32 $0xFFFFFF00  }
.LBB2_7:
0x15: {  	s18 =	sadd.s32 $0x1, s18  }
0x16: {  	p3 =	sne.s32 s18, s10  }
.Ltmp1:
0x17: {  	_ = 	snop;
	(pc) =	sbr.rel @!p3 .LBB2_8-.Ltmp1, $1  }
0x18: {  	_ =	sdelay $0x3  }
.LBB2_1:
0x19: {  	[tilespmem:s12], [sflag:$0x1] =	stream.linear.gather [hbm4b:s5+s2], $0x4000, $0x38;
	[tilespmem:$0x17940] =	vst v63  }
0x1a: {  	_ =	swait.ge [sflag:s13], $0x4000  }
0x1b: {  	[sflag:s13] =	ssyncset.done $0x0  }
0x1c: {  	[sflag:s13] =	ssyncadd.s32 $0xFFFFC000  }
0x1d: {  	[spmem:s15], [sflag:s14] =	dma.local [hbm:s4], $0x2700  }
0x1e: {  	_ =	swait.ge [sflag:s13], $0x2700  }
0x1f: {  	[sflag:s13] =	ssyncset.done $0x0  }
0x20: {  	s19 =	simm.s32 @!p1 $0x1;
	[sflag:s13] =	ssyncadd.s32 $0xFFFFD900  }
0x21: {  	[spmem:s16], [sflag:s14] =	dma.local @!p1 [hbm:s4], $0x100  }
0x22: {  	_ =	swait.ge @!p1 [sflag:s19], $0x100  }
0x23: {  	[sflag:s19] =	ssyncset.done @!p1 $0x0  }
0x24: {  	[sflag:s19] =	ssyncadd.s32 @!p1 $0xFFFFFF00  }
0x25: {  	s31 =	sadd.s32 $0x0, s11;
	[bflag:$0x0] =	sbarrier.arrive $0xFFFF  }
0x26: {  	[tilespmem:s2], [sflag:$0x1] =	stream.linear.gather [hbm4b:s31+s2], $0x80, $0x38;
	[tilespmem:$0x17940] =	vst v63  }
0x27: {  	_ =	swait.ge [sflag:s13], $0x80  }
0x28: {  	[sflag:s13] =	ssyncset.done $0x0  }
0x29: {  	[sflag:s13] =	ssyncadd.s32 $0xFFFFFF80  }
0x2a: {  	[spmem:s1] =	stream.indirect.scatter.add.f32 [tilespmem:s12], [sflag:$0x1], $0x80, s2, s12, $0xb8;
	[tilespmem:$0x17940] =	vst v63  }
0x2b: {  	_ =	swait.ge [sflag:s13], $0x4000  }
0x2c: {  	s20 =	simm.s32 $0x20;
	s19 =	simm.s32 $0x10;
	[sflag:s13] =	ssyncset.done $0x0  }
.LBB2_2:
0x2d: {  	s21 =	sadd.s32 s19, s11  }
0x2e: {  	[sflag:s13] =	ssyncadd.s32 $0xFFFFC000;
	s19 =	smov.u32 s20;
	s22 =	sadd.s32 $0x10, s20  }
0x2f: {  	[tilespmem:s2], [sflag:$0x1] =	stream.linear.gather [hbm4b:s21+s2], $0x80, $0x38;
	[tilespmem:$0x17940] =	vst v63  }
0x30: {  	p3 =	sne.s32 s20, $0x4E0;
	_ =	swait.ge [sflag:s13], $0x80  }
.Ltmp2:
0x31: {  	[sflag:s13] =	ssyncset.done $0x0;
	(pc) =	sbr.rel @p3 .LBB2_2-.Ltmp2, $4  }
0x32: {  	[sflag:s13] =	ssyncadd.s32 $0xFFFFFF80  }
0x33: {  	[spmem:s1] =	stream.indirect.scatter.add.f32 [tilespmem:s12], [sflag:$0x1], $0x80, s2, s12, $0xb8;
	[tilespmem:$0x17940] =	vst v63  }
0x34: {  	_ =	swait.ge [sflag:s13], $0x4000  }
0x35: {  	s20 =	smov.u32 s22;
	[sflag:s13] =	ssyncset.done $0x0  }
0x36: {  	s19 =	sadd.s32 s19, s11;
	[sflag:s13] =	ssyncadd.s32 $0xFFFFC000  }
0x37: {  	[tilespmem:s2], [sflag:$0x1] =	stream.linear.gather [hbm4b:s19+s2], $0x80, $0x38;
	[tilespmem:$0x17940] =	vst v63  }
0x38: {  	_ =	swait.ge [sflag:s13], $0x80  }
0x39: {  	[sflag:s13] =	ssyncset.done $0x0  }
0x3a: {  	[sflag:s13] =	ssyncadd.s32 $0xFFFFFF80  }
0x3b: {  	[spmem:s1] =	stream.indirect.scatter.add.f32 [tilespmem:s12], [sflag:$0x1], $0x80, s2, s12, $0xb8;
	[tilespmem:$0x17940] =	vst v63  }
.Ltmp3:
0x3c: {  	_ =	swait.ge [sflag:s13], $0x4000;
	(pc) =	sbr.rel @!p0 .LBB2_4-.Ltmp3, $3  }
0x3d: {  	[sflag:s13] =	ssyncset.done $0x0  }
0x3e: {  	[sflag:s13] =	ssyncadd.s32 $0xFFFFC000  }
0x3f: {  	[bflag:$0x0] =	sbarrier.arrive $0xFFFF;
	_ =	sdelay $0x1  }
0x40: {  	[hbm:s9], [sflag:s14] =	dma.local [spmem:s15], $0x2700  }
.Ltmp4:
0x41: {  	_ = 	snop;
	(pc) =	sbr.rel @p1 .LBB2_7-.Ltmp4, $4  }
.Ltmp5:
0x42: {  	_ = 	snop;
	(pc) =	sbr.rel @!p1 .LBB2_6-.Ltmp5, $4  }
0x43: {  	_ =	swait.ge [sflag:s13], $0x2700  }
0x44: {  	[sflag:s13] =	ssyncset.done $0x0  }
0x45: {  	s19 =	smov.u32 s7;
	[sflag:s13] =	ssyncadd.s32 $0xFFFFD900  }
0x46: {  	_ = 	snop  }
.LBB2_4:
0x47: {  	[hbm:s8], [sflag:s14] =	dma.local [spmem:s15], $0x2700  }
.Ltmp6:
0x48: {  	_ = 	snop;
	(pc) =	sbr.rel @p2 .LBB2_6-.Ltmp6, $4  }
.Ltmp7:
0x49: {  	_ = 	snop;
	(pc) =	sbr.rel @!p2 .LBB2_7-.Ltmp7, $4  }
0x4a: {  	_ =	swait.ge [sflag:s13], $0x2700  }
0x4b: {  	[sflag:s13] =	ssyncset.done $0x0  }
0x4c: {  	s19 =	smov.u32 s6;
	[sflag:s13] =	ssyncadd.s32 $0xFFFFD900  }
0x4d: {  	_ = 	snop  }
.LBB2_8:
0x4e: {  	_ =	sfence.sel $0x180000  }
0x4f: {  	[bflag:$0x0] =	sbarrier.arrive $0xFFFF  }
0x50: {  	p0 =	sne.s32 s3, $0x0;
	_ =	strace $0x90000047  }
0x51: {  	s0 =	sadd.s32 @!p0 $0x100000, s0;
	[bflag:$0x2] =	sbarrier.arrive $0xFFFF  }
0x52: {  	[sflag:s0] =	ssyncadd.tile.s32 @!p0 $0x1;
	_ =	shalt  }
.Lfunc_end2:
_tile_overlayer_lowered:
.L_overlay_start_2:
0x53: {  	(tag) =	ssettag $0x2  }
0x54: {  	s0 =	rddreg [dreg:$0x0];
	s2 =	stileid.u32  }
0x55: {  	s1 =	rddreg [dreg:$0x1];
	p0 =	sne.s32 s2, $0x0  }
0x56: {  	s3 =	rddreg [dreg:$0x2];
	[bflag:$0x3] =	sbarrier.arrive $0xFFFF;
	s2 =	simm.s32 @!p0 $0x1C01  }
0x57: {  	[timem:s3], [sflag:s2] =	dma.local @!p0 [hbm:s0], s1  }
0x58: {  	s0 =	simm.s32 @!p0 $0x1  }
0x59: {  	_ =	swait.ge @!p0 [sflag:s0], s1  }
0x5a: {  	s1 =	ssub.s32 @!p0 $0x0, s1;
	[sflag:s0] =	ssyncset.done @!p0 $0x0  }
0x5b: {  	[sflag:s0] =	ssyncadd.s32 @!p0 s1  }
0x5c: {  	[bflag:$0x3] =	sbarrier.arrive $0xFFFF  }
0x5d: {  	_ =	shalt  }

// kernel: kernel.13.cloned.1.call-start
scs
__scs_entry_jumppad:
0x0: {  	(pc) =	sbr.rel $0x88, $3  }
0x1: {  	(tag) =	ssettag $0x0;
	lr =	simm.s32 $0x1  }
0x2: {  	[smem:$0x3F94] =	sst lr;
	_ =	strace $0xD0000000  }
0x3: {  	_ = 	snop  }
0x4: {  	_ = 	snop  }
0x5: {  	_ = 	snop  }
0x6: {  	_ = 	snop  }
0x7: {  	_ = 	snop  }
__scs_overlays_trampoline_lowered:
0x8: {  	[smem:$0x3FA3] =	sst s0  }
0x9: {  	[smem:$0x3FA4] =	sst s1  }
0xa: {  	[smem:$0x3FA5] =	sst s2  }
0xb: {  	[smem:$0x3FA6] =	sst s3  }
0xc: {  	[smem:$0x3FA7] =	sst s4  }
0xd: {  	[smem:$0x3FA8] =	sst s5  }
0xe: {  	[smem:$0x3FA9] =	sst s6  }
0xf: {  	[smem:$0x3FAA] =	sst s7  }
0x10: {  	[smem:$0x3FAB] =	sst s8  }
0x11: {  	[smem:$0x3FAC] =	sst s9;
	s0 =	simm.s32 @!p0 $0x0  }
0x12: {  	s1 =	sld [smem:$0x3F92];
	s0 =	simm.s32 @p0 $0x1  }
0x13: {  	[smem:$0x3FAD] =	sst s0;
	s0 =	simm.s32 @!p1 $0x0  }
0x14: {  	s2 =	sld [smem:$0x3F91];
	s0 =	simm.s32 @p1 $0x1  }
0x15: {  	[smem:$0x3FAE] =	sst s0;
	s0 =	simm.s32 @!p2 $0x0  }
0x16: {  	s3 =	sld [smem:$0x3FDB];
	s0 =	simm.s32 @p2 $0x1  }
0x17: {  	s4 =	simm.s32 $0x1BF5;
	[smem:$0x3FB0] =	sst s0  }
0x18: {  	s0 =	sld [smem:$0x3F93];
	_ =	swait.ge [sflag:s4], $0x0  }
0x19: {  	s7 =	sld [smem:$0x3F94]  }
0x1a: {  	s8 =	sadd.s32 $0xFFFFE003, lr  }
0x1b: {  	s9 =	sadd.s32 $0xFFFFFEF7, lr;
	s5 =	simm.s32 $0xFFFFFFFF;
	p2 =	slt.u32 s8, $0xFFFFF086  }
0x1c: {  	p1 =	slt.u32 s9, $0xF7A;
	s5 =	simm.s32 @!p2 $0x0  }
0x1d: {  	s5 =	simm.s32 @p1 $0x1;
	p0 =	seq.s32 s7, s2  }
0x1e: {  	s7 =	smul.u32 @!p0 $0xF7A, s2;
	p2 =	seq.s32 @!p0 s5, $0x0  }
0x1f: {  	s9 =	smul.u32 $0xF7A, s1;
	s8 =	simm.s32 @!p0 $0x1BF5;
	p2 =	por !p2, p0  }
0x20: {  	[sflag:s8] =	ssyncset.s32 @!p0 $0xFFFFF086;
	s6 =	sadd.s32 @!p0 s3, s7;
	s7 =	simm.s32 @!p0 $0x108  }
0x21: {  	s3 =	sadd.s32 s3, s9;
	s6 =	sadd.s32 @!p0 $0x88, s6;
	s7 =	simm.s32 @p2 $0x1082  }
0x22: {  	[simem:s7], [sflag:s8] =	dma.local @!p0 [hbm:s6], $0xF7A  }
0x23: {  	s9 =	sor.u32 $0xD0000000, s2;
	s6 =	simm.s32 $0x108;
	_ =	swait.ge @!p0 [sflag:s8], $0x0  }
0x24: {  	s3 =	sadd.s32 $0x88, s3;
	s6 =	simm.s32 @!p1 $0x1082;
	[sflag:s4] =	ssyncset.s32 $0xFFFFF086  }
0x25: {  	[simem:s6], [sflag:s4] =	dma.local [hbm:s3], $0xF7A  }
0x26: {  	[smem:$0x3F94] =	sst s1;
	(tag) =	ssettag s2;
	_ =	strace s9  }
0x27: {  	s1 =	sld [smem:$0x3FA4]  }
0x28: {  	s2 =	sld [smem:$0x3FA5]  }
0x29: {  	s4 =	sld [smem:$0x3FA7]  }
0x2a: {  	p0 =	seq.s32 s5, $0x0;
	s5 =	sld [smem:$0x3FA8]  }
0x2b: {  	s6 =	sld [smem:$0x3FA9]  }
0x2c: {  	s7 =	sld [smem:$0x3FAA]  }
0x2d: {  	s3 =	simm.s32 $0x108;
	s8 =	sld [smem:$0x3FAB]  }
0x2e: {  	s3 =	simm.s32 @!p0 $0x1082;
	s9 =	sld [smem:$0x3FAC]  }
0x2f: {  	lr =	sadd.s32 s0, s3;
	s0 =	sld [smem:$0x3FA3]  }
0x30: {  	s3 =	sld [smem:$0x3FA6]  }
0x31: {  	[smem:$0x3FAF] =	sst s10  }
0x32: {  	s10 =	sld [smem:$0x3FAD];
	_ =	sdelay $0x3  }
0x33: {  	p0 =	seq.s32 s10, $0x1;
	s10 =	sld [smem:$0x3FAF];
	_ =	sdelay $0x3  }
0x34: {  	[smem:$0x3FAF] =	sst s10  }
0x35: {  	s10 =	sld [smem:$0x3FAE];
	_ =	sdelay $0x3  }
0x36: {  	p1 =	seq.s32 s10, $0x1;
	s10 =	sld [smem:$0x3FAF];
	_ =	sdelay $0x3  }
0x37: {  	[smem:$0x3FAF] =	sst s10  }
0x38: {  	s10 =	sld [smem:$0x3FB0]  }
0x39: {  	_ = 	snop;
	(pc) =	sbr.ind lr, $3  }
0x3a: {  	_ = 	snop  }
0x3b: {  	_ = 	snop  }
0x3c: {  	p2 =	seq.s32 s10, $0x1;
	s10 =	sld [smem:$0x3FAF]  }
0x3d: {  	_ =	shalt  }
0x3e: {  	_ =	shalt  }
0x3f: {  	_ =	shalt  }
0x40: {  	_ =	shalt  }
0x41: {  	_ =	shalt  }
0x42: {  	_ =	shalt  }
0x43: {  	_ =	shalt  }
0x44: {  	_ =	shalt  }
0x45: {  	_ =	shalt  }
0x46: {  	_ =	shalt  }
0x47: {  	_ =	shalt  }
0x48: {  	_ =	shalt  }
0x49: {  	_ =	shalt  }
0x4a: {  	_ =	shalt  }
0x4b: {  	_ =	shalt  }
0x4c: {  	_ =	shalt  }
0x4d: {  	_ =	shalt  }
0x4e: {  	_ =	shalt  }
0x4f: {  	_ =	shalt  }
0x50: {  	_ =	shalt  }
0x51: {  	_ =	shalt  }
0x52: {  	_ =	shalt  }
0x53: {  	_ =	shalt  }
0x54: {  	_ =	shalt  }
0x55: {  	_ =	shalt  }
0x56: {  	_ =	shalt  }
0x57: {  	_ =	shalt  }
0x58: {  	_ =	shalt  }
0x59: {  	_ =	shalt  }
0x5a: {  	_ =	shalt  }
0x5b: {  	_ =	shalt  }
0x5c: {  	_ =	shalt  }
0x5d: {  	_ =	shalt  }
0x5e: {  	_ =	shalt  }
0x5f: {  	_ =	shalt  }
0x60: {  	_ =	shalt  }
0x61: {  	_ =	shalt  }
0x62: {  	_ =	shalt  }
0x63: {  	_ =	shalt  }
0x64: {  	_ =	shalt  }
0x65: {  	_ =	shalt  }
0x66: {  	_ =	shalt  }
0x67: {  	_ =	shalt  }
0x68: {  	_ =	shalt  }
0x69: {  	_ =	shalt  }
0x6a: {  	_ =	shalt  }
0x6b: {  	_ =	shalt  }
0x6c: {  	_ =	shalt  }
0x6d: {  	_ =	shalt  }
0x6e: {  	_ =	shalt  }
0x6f: {  	_ =	shalt  }
0x70: {  	_ =	shalt  }
0x71: {  	_ =	shalt  }
0x72: {  	_ =	shalt  }
0x73: {  	_ =	shalt  }
0x74: {  	_ =	shalt  }
0x75: {  	_ =	shalt  }
0x76: {  	_ =	shalt  }
0x77: {  	_ =	shalt  }
0x78: {  	_ =	shalt  }
0x79: {  	_ =	shalt  }
0x7a: {  	_ =	shalt  }
0x7b: {  	_ =	shalt  }
0x7c: {  	_ =	shalt  }
0x7d: {  	_ =	shalt  }
0x7e: {  	_ =	shalt  }
0x7f: {  	_ =	shalt  }
0x80: {  	_ =	shalt  }
0x81: {  	_ =	shalt  }
0x82: {  	_ =	shalt  }
0x83: {  	_ =	shalt  }
0x84: {  	_ =	shalt  }
0x85: {  	_ =	shalt  }
0x86: {  	_ =	shalt  }
0x87: {  	_ =	shalt  }
.Lfunc_end0:
.L_simem_size_0:
called_computation.1_lowered:
.L_overlay_start_0:
0x88: {  	s2 =	sld [smem:$0x3FD9]  }
0x89: {  	s3 =	sld [smem:$0x3FFE];
	_ =	sdelay $0x1  }
0x8a: {  	s1 =	srdreg.scid  }
0x8b: {  	s0 =	sand.u32 $0x1, s1  }
0x8c: {  	s16 =	sshll.u32 s0, $0xA;
	s2 =	sadd.s32 s3, s2  }
0x8d: {  	s2 =	sadd.s32 s2, s16  }
0x8e: {  	[smem:$0x3FBB] =	sst s2  }
0x8f: {  	_ = 	snop  }
0x90: {  	(tm) =	ssettm $0x1  }
0x91: {  	s17 =	sld [smem:$0x3FFB];
	_ =	sdelay $0x3  }
0x92: {  	_ =	strace s17  }
0x93: {  	s2 =	sld [smem:$0x3FFC];
	_ =	sdelay $0x3  }
0x94: {  	_ =	strace s2  }
0x95: {  	s2 =	sld [smem:$0x3FFD];
	_ =	sdelay $0x3  }
0x96: {  	_ =	strace s2  }
0x97: {  	_ =	strace $0x8FFFFFFF  }
0x98: {  	s18 =	sld [smem:$0x3FDB];
	_ =	sdelay $0x1  }
0x99: {  	s19 =	simm.s32 $_scs_section_size  }
0x9a: {  	s4 =	simm.s32 $_size__tile_overlayer_lowered;
	s5 =	simm.s32 $_tile_overlayer_lowered  }
0x9b: {  	s22 =	simm.s32 $0x1BFF;
	s21 =	sshll.u32 s5, $0x1;
	s2 =	sadd.s32 s19, s18  }
0x9c: {  	s6 =	simm.s32 $0x0;
	s20 =	sshll.u32 s4, $0x1;
	s4 =	sadd.s32 s21, s2  }
0x9d: {  	[timem:s6], [sflag:s22] =	dma.local [hbm:s4], s20  }
0x9e: {  	_ =	swait.ge [sflag:s22], s20  }
0x9f: {  	s3 =	ssub.s32 $0x0, s20;
	[sflag:s22] =	ssyncset.done $0x0  }
0xa0: {  	[sflag:s22] =	ssyncadd.s32 s3;
	_ =	sdelay $0x1  }
0xa1: {  	s23 =	simm.s32 $0x1B8B  }
0xa2: {  	_ =	swait.ge [sflag:s23], $0x1  }
0xa3: {  	[sflag:s23] =	ssyncset.done $0x0  }
0xa4: {  	s25 =	simm.s32 $0x1B8E;
	s24 =	sld [smem:$0x3FFE];
	[sflag:s23] =	ssyncadd.s32 $0xFFFFFFFF  }
0xa5: {  	s26 =	simm.s32 $execute0_lowered;
	[smem:$0x3FD2] =	sst s25  }
0xa6: {  	s4 =	sshll.u32 s26, $0x1;
	_ =	strace $0x80000049;
	[dreg:$0x1] =	wrdreg $0xFFFFFFFF  }
0xa7: {  	s28 =	simm.s32 $_size_execute0_lowered;
	s2 =	sadd.s32 s2, s4;
	[dreg:$0x0] =	wrdreg $0x0  }
0xa8: {  	s4 =	sshll.u32 s28, $0x1;
	[dreg:$0x2] =	wrdreg s2  }
0xa9: {  	[dreg:$0x3] =	wrdreg s4  }
0xaa: {  	[dreg:$0x4] =	wrdreg $0xC0  }
0xab: {  	_ =	task [dreg:s6], $0x5FFFF  }
0xac: {  	[dreg:$0x1] =	wrdreg $0xFFFFFFFF  }
0xad: {  	[dreg:$0x0] =	wrdreg $0x60  }
0xae: {  	[dreg:$0x2] =	wrdreg s24  }
0xaf: {  	[dreg:$0x3] =	wrdreg $0x41000  }
0xb0: {  	[dreg:$0x4] =	wrdreg $0x9  }
0xb1: {  	_ =	task.clear_ibuf [dreg:s6], $0x5FFFF;
	_ =	strace $0x90000049  }
0xb2: {  	s29 =	simm.s32 $0x9;
	_ =	strace $0x8000004B  }
0xb3: {  	_ =	swait.ge [sflag:s29], $0x1  }
0xb4: {  	[sflag:s29] =	ssyncadd.s32 $0xFFFFFFFF  }
0xb5: {  	_ =	strace $0x9000004B  }
0xb6: {  	_ =	sfence  }
0xb7: {  	s30 =	sld [smem:$0x0];
	_ =	sdelay $0x2  }
0xb8: {  	s31 =	sshll.u32 s1, $0xD;
	s1 =	sshrl.u32 s1, $0x2  }
0xb9: {  	s3 =	sand.u32 $0x4000, s31;
	s1 =	sadd.s32 s1, s30  }
0xba: {  	s0 =	sor.u32 s3, s0;
	s1 =	sshll.u32 s1, $0x11  }
0xbb: {  	s0 =	sor.u32 s1, s0  }
0xbc: {  	s0 =	sadd.s32 $0x8F2B, s0  }
0xbd: {  	[sflag:s0] =	ssyncadd.remote.s32 $0x1  }
0xbe: {  	_ =	sfence.sel $0xFFFF  }
0xbf: {  	[dreg:$0x0] =	wrdreg $0xFFFFFFFF;
	(pc) =	sbr.abs _section_cstart, $3  }
0xc0: {  	[dreg:$0x1] =	wrdreg $0xFFFFFFFF  }
0xc1: {  	_ =	task.clear_ibuf [dreg:s6], $0x2FFFF;
	_ =	strace $0x9FFFFFFF  }
0xc2: {  	(tm) =	ssettm $0x7FFFFFFF  }
0xc3: {  	_ =	shalt  }
tec
execute0_lowered:
.L_overlay_start_1:
0x0: {  	(tag) =	ssettag $0x1  }
0x1: {  	s7 =	rddreg [dreg:$0x0];
	s0 =	srdreg.scid  }
0x2: {  	s1 =	rddreg [dreg:$0x1];
	s2 =	simm.s32 $0x0;
	s17 =	simm.s32 $0x80  }
0x3: {  	s18 =	simm.s32 $0x100;
	s9 =	sand.u32 $0x1, s0;
	s0 =	rddreg [dreg:$0x2]  }
0x4: {  	s19 =	simm.s32 $0x1;
	s21 =	simm.s32 $0x0;
	[smem:$0x7FF] =	sst s2  }
0x5: {  	s4 =	sadd.s32 $0x1BC00, s7;
	s5 =	sadd.s32 $0x19400, s7;
	s3 =	smul.u32 $0x4F00, s9  }
0x6: {  	s6 =	sadd.s32 $0x6A000, s7;
	s20 =	sadd.s32 $0x138000, s1;
	_ =	strace $0x8000004A  }
0x7: {  	s8 =	ssub.s32 $0x2, s9;
	s12 =	sadd.s32 s3, s7;
	s3 =	stileid.u32  }
0x8: {  	p0 =	seq.s32 s9, $0x1;
	s10 =	sshrl.u32 s8, $0x1;
	s11 =	smul.u32 $0x4E000, s3  }
0x9: {  	s7 =	sadd.s32 $0x91200, s7;
	s13 =	ssub.s32 s8, s10;
	s30 =	smul.u32 $0x2700, s3  }
0xa: {  	s29 =	sshll.u32 s3, $0x6;
	s15 =	smul.u32 $0x4F0, s3;
	p1 =	sne.s32 s3, $0xF  }
.Ltmp0:
0xb: {  	p2 =	seq.s32 s3, $0xF;
	s8 =	sor.u32 $0x1C02, s29;
	(pc) =	sbr.rel .LBB2_1-.Ltmp0, $4  }
0xc: {  	s16 =	sshrl.u32 @!p1 s20, $0x3;
	s20 =	sshrl.u32 s20, $0x3;
	s28 =	sshrl.u32 s11, $0x2  }
0xd: {  	s9 =	sadd.s32 s6, s30;
	s10 =	sadd.s32 s7, s30;
	s11 =	smax.u32 s13, $0x1  }
0xe: {  	s31 =	sadd.s32 s15, s12;
	s15 =	simm.s32 $0x2;
	s14 =	sadd.s32 s28, s1  }
0xf: {  	s12 =	sadd.s32 $0xF600, s31;
	s13 =	sadd.s32 $0x5800, s31;
	s14 =	sshrl.u32 s14, $0x3  }
.LBB2_6:
0x10: {  	s22 =	sadd.s32 $0x27000, s22  }
0x11: {  	[hbm:s22], [sflag:s8] =	dma.local [spmem:s20], $0x100  }
0x12: {  	_ =	swait.ge [sflag:s15], $0x100  }
0x13: {  	[sflag:s15] =	ssyncset.done $0x0  }
0x14: {  	[sflag:s15] =	ssyncadd.s32 $0xFFFFFF00  }
.LBB2_7:
0x15: {  	s21 =	sadd.s32 $0x1, s21  }
0x16: {  	p3 =	sne.s32 s21, s11  }
.Ltmp1:
0x17: {  	_ = 	snop;
	(pc) =	sbr.rel @!p3 .LBB2_8-.Ltmp1, $1  }
0x18: {  	_ =	sdelay $0x3  }
.LBB2_1:
0x19: {  	[spmem:s14], [sflag:s8] =	dma.local [hbm:s5], $0x2700  }
0x1a: {  	_ =	swait.ge [sflag:s15], $0x2700  }
0x1b: {  	[sflag:s15] =	ssyncset.done $0x0  }
0x1c: {  	s22 =	simm.s32 @!p1 $0x2;
	[sflag:s15] =	ssyncadd.s32 $0xFFFFD900  }
0x1d: {  	[spmem:s16], [sflag:s8] =	dma.local @!p1 [hbm:s5], $0x100  }
0x1e: {  	_ =	swait.ge @!p1 [sflag:s22], $0x100  }
0x1f: {  	[sflag:s22] =	ssyncset.done @!p1 $0x0  }
0x20: {  	[sflag:s22] =	ssyncadd.s32 @!p1 $0xFFFFFF00  }
0x21: {  	s30 =	sadd.s32 $0x0, s12;
	[bflag:$0x0] =	sbarrier.arrive $0xFFFF  }
0x22: {  	[tilespmem:s2], [sflag:$0x2] =	stream.linear.gather [hbm4b:s30+s2], $0x80, $0x38;
	[tilespmem:$0x179C0] =	vst v63  }
0x23: {  	_ =	swait.ge [sflag:s15], $0x80  }
0x24: {  	[sflag:s15] =	ssyncset.done $0x0  }
0x25: {  	s31 =	sadd.s32 $0x0, s13;
	[sflag:s15] =	ssyncadd.s32 $0xFFFFFF80  }
0x26: {  	[tilespmem:s17], [sflag:$0x2] =	stream.linear.gather [hbm4b:s31+s2], $0x80, $0x38;
	[tilespmem:$0x179C0] =	vst v63  }
0x27: {  	_ =	swait.ge [sflag:s15], $0x80  }
0x28: {  	[sflag:s15] =	ssyncset.done $0x0  }
0x29: {  	[sflag:s15] =	ssyncadd.s32 $0xFFFFFF80  }
0x2a: {  	[tilespmem:s18], [sflag:$0x1] =	stream.indirect.gather [hbm4b:s4+s17], $0x80, s2, s17, $0xb8;
	[tilespmem:$0x179C0] =	vst v63  }
0x2b: {  	_ =	swait.ge [sflag:s19], $0x4000  }
0x2c: {  	[sflag:s19] =	ssyncset.done $0x0  }
0x2d: {  	[sflag:s19] =	ssyncadd.s32 $0xFFFFC000  }
0x2e: {  	[spmem:s1] =	stream.indirect.scatter.add.f32 [tilespmem:s18], [sflag:$0x2], $0x80, s17, s17, $0xb8;
	[tilespmem:$0x179C0] =	vst v63  }
0x2f: {  	_ =	swait.ge [sflag:s15], $0x4000  }
0x30: {  	s23 =	simm.s32 $0x20;
	s22 =	simm.s32 $0x10;
	[sflag:s15] =	ssyncset.done $0x0  }
.LBB2_2:
0x31: {  	s24 =	sadd.s32 s22, s12  }
0x32: {  	[sflag:s15] =	ssyncadd.s32 $0xFFFFC000;
	s25 =	smov.u32 s23;
	s26 =	sadd.s32 $0x10, s23  }
0x33: {  	[tilespmem:s2], [sflag:$0x2] =	stream.linear.gather [hbm4b:s24+s2], $0x80, $0x38;
	[tilespmem:$0x179C0] =	vst v63  }
0x34: {  	p3 =	sne.s32 s23, $0x4E0;
	_ =	swait.ge [sflag:s15], $0x80  }
0x35: {  	[sflag:s15] =	ssyncset.done $0x0  }
0x36: {  	s23 =	sadd.s32 s22, s13;
	s22 =	smov.u32 s25;
	[sflag:s15] =	ssyncadd.s32 $0xFFFFFF80  }
0x37: {  	[tilespmem:s17], [sflag:$0x2] =	stream.linear.gather [hbm4b:s23+s2], $0x80, $0x38;
	[tilespmem:$0x179C0] =	vst v63  }
0x38: {  	_ =	swait.ge [sflag:s15], $0x80  }
0x39: {  	[sflag:s15] =	ssyncset.done $0x0  }
0x3a: {  	[sflag:s15] =	ssyncadd.s32 $0xFFFFFF80  }
0x3b: {  	[tilespmem:s18], [sflag:$0x1] =	stream.indirect.gather [hbm4b:s4+s17], $0x80, s2, s17, $0xb8;
	[tilespmem:$0x179C0] =	vst v63  }
0x3c: {  	_ =	swait.ge [sflag:s19], $0x4000  }
.Ltmp2:
0x3d: {  	[sflag:s19] =	ssyncset.done $0x0;
	(pc) =	sbr.rel @p3 .LBB2_2-.Ltmp2, $4  }
0x3e: {  	[sflag:s19] =	ssyncadd.s32 $0xFFFFC000  }
0x3f: {  	[spmem:s1] =	stream.indirect.scatter.add.f32 [tilespmem:s18], [sflag:$0x2], $0x80, s17, s17, $0xb8;
	[tilespmem:$0x179C0] =	vst v63  }
0x40: {  	_ =	swait.ge [sflag:s15], $0x4000  }
0x41: {  	s23 =	smov.u32 s26;
	[sflag:s15] =	ssyncset.done $0x0  }
0x42: {  	s23 =	sadd.s32 s22, s12;
	[sflag:s15] =	ssyncadd.s32 $0xFFFFC000  }
0x43: {  	[tilespmem:s2], [sflag:$0x2] =	stream.linear.gather [hbm4b:s23+s2], $0x80, $0x38;
	[tilespmem:$0x179C0] =	vst v63  }
0x44: {  	_ =	swait.ge [sflag:s15], $0x80  }
0x45: {  	[sflag:s15] =	ssyncset.done $0x0  }
0x46: {  	s31 =	sadd.s32 s22, s13;
	[sflag:s15] =	ssyncadd.s32 $0xFFFFFF80  }
0x47: {  	[tilespmem:s17], [sflag:$0x2] =	stream.linear.gather [hbm4b:s31+s2], $0x80, $0x38;
	[tilespmem:$0x179C0] =	vst v63  }
0x48: {  	_ =	swait.ge [sflag:s15], $0x80  }
0x49: {  	[sflag:s15] =	ssyncset.done $0x0  }
0x4a: {  	[sflag:s15] =	ssyncadd.s32 $0xFFFFFF80  }
0x4b: {  	[tilespmem:s18], [sflag:$0x1] =	stream.indirect.gather [hbm4b:s4+s17], $0x80, s2, s17, $0xb8;
	[tilespmem:$0x179C0] =	vst v63  }
0x4c: {  	_ =	swait.ge [sflag:s19], $0x4000  }
0x4d: {  	[sflag:s19] =	ssyncset.done $0x0  }
0x4e: {  	[sflag:s19] =	ssyncadd.s32 $0xFFFFC000  }
0x4f: {  	[spmem:s1] =	stream.indirect.scatter.add.f32 [tilespmem:s18], [sflag:$0x2], $0x80, s17, s17, $0xb8;
	[tilespmem:$0x179C0] =	vst v63  }
.Ltmp3:
0x50: {  	_ =	swait.ge [sflag:s15], $0x4000;
	(pc) =	sbr.rel @!p0 .LBB2_4-.Ltmp3, $3  }
0x51: {  	[sflag:s15] =	ssyncset.done $0x0  }
0x52: {  	[sflag:s15] =	ssyncadd.s32 $0xFFFFC000  }
0x53: {  	[bflag:$0x0] =	sbarrier.arrive $0xFFFF;
	_ =	sdelay $0x1  }
0x54: {  	[hbm:s10], [sflag:s8] =	dma.local [spmem:s14], $0x2700  }
.Ltmp4:
0x55: {  	_ = 	snop;
	(pc) =	sbr.rel @p1 .LBB2_7-.Ltmp4, $4  }
.Ltmp5:
0x56: {  	_ = 	snop;
	(pc) =	sbr.rel @!p1 .LBB2_6-.Ltmp5, $4  }
0x57: {  	_ =	swait.ge [sflag:s15], $0x2700  }
0x58: {  	[sflag:s15] =	ssyncset.done $0x0  }
0x59: {  	s22 =	smov.u32 s7;
	[sflag:s15] =	ssyncadd.s32 $0xFFFFD900  }
0x5a: {  	_ = 	snop  }
.LBB2_4:
0x5b: {  	[hbm:s9], [sflag:s8] =	dma.local [spmem:s14], $0x2700  }
.Ltmp6:
0x5c: {  	_ = 	snop;
	(pc) =	sbr.rel @p2 .LBB2_6-.Ltmp6, $4  }
.Ltmp7:
0x5d: {  	_ = 	snop;
	(pc) =	sbr.rel @!p2 .LBB2_7-.Ltmp7, $4  }
0x5e: {  	_ =	swait.ge [sflag:s15], $0x2700  }
0x5f: {  	[sflag:s15] =	ssyncset.done $0x0  }
0x60: {  	s22 =	smov.u32 s6;
	[sflag:s15] =	ssyncadd.s32 $0xFFFFD900  }
0x61: {  	_ = 	snop  }
.LBB2_8:
0x62: {  	_ =	sfence.sel $0x180000  }
0x63: {  	[bflag:$0x0] =	sbarrier.arrive $0xFFFF  }
0x64: {  	p0 =	sne.s32 s3, $0x0;
	_ =	strace $0x9000004A  }
0x65: {  	s0 =	sadd.s32 @!p0 $0x100000, s0;
	[bflag:$0x2] =	sbarrier.arrive $0xFFFF  }
0x66: {  	[sflag:s0] =	ssyncadd.tile.s32 @!p0 $0x1;
	_ =	shalt  }
.Lfunc_end2:
_tile_overlayer_lowered:
.L_overlay_start_2:
0x67: {  	(tag) =	ssettag $0x2  }
0x68: {  	s0 =	rddreg [dreg:$0x0];
	s2 =	stileid.u32  }
0x69: {  	s1 =	rddreg [dreg:$0x1];
	p0 =	sne.s32 s2, $0x0  }
0x6a: {  	s3 =	rddreg [dreg:$0x2];
	[bflag:$0x3] =	sbarrier.arrive $0xFFFF;
	s2 =	simm.s32 @!p0 $0x1C02  }
0x6b: {  	[timem:s3], [sflag:s2] =	dma.local @!p0 [hbm:s0], s1  }
0x6c: {  	s0 =	simm.s32 @!p0 $0x2  }
0x6d: {  	_ =	swait.ge @!p0 [sflag:s0], s1  }
0x6e: {  	s1 =	ssub.s32 @!p0 $0x0, s1;
	[sflag:s0] =	ssyncset.done @!p0 $0x0  }
0x6f: {  	[sflag:s0] =	ssyncadd.s32 @!p0 s1  }
0x70: {  	[bflag:$0x3] =	sbarrier.arrive $0xFFFF  }
0x71: {  	_ =	shalt  }

// kernel: kernel.16.cloned.1.call-start
scs
__scs_entry_jumppad:
0x0: {  	(pc) =	sbr.rel $0x88, $3  }
0x1: {  	(tag) =	ssettag $0x0;
	lr =	simm.s32 $0x1  }
0x2: {  	[smem:$0x3F94] =	sst lr;
	_ =	strace $0xD0000000  }
0x3: {  	_ = 	snop  }
0x4: {  	_ = 	snop  }
0x5: {  	_ = 	snop  }
0x6: {  	_ = 	snop  }
0x7: {  	_ = 	snop  }
__scs_overlays_trampoline_lowered:
0x8: {  	[smem:$0x3FA3] =	sst s0  }
0x9: {  	[smem:$0x3FA4] =	sst s1  }
0xa: {  	[smem:$0x3FA5] =	sst s2  }
0xb: {  	[smem:$0x3FA6] =	sst s3  }
0xc: {  	[smem:$0x3FA7] =	sst s4  }
0xd: {  	[smem:$0x3FA8] =	sst s5  }
0xe: {  	[smem:$0x3FA9] =	sst s6  }
0xf: {  	[smem:$0x3FAA] =	sst s7  }
0x10: {  	[smem:$0x3FAB] =	sst s8  }
0x11: {  	[smem:$0x3FAC] =	sst s9;
	s0 =	simm.s32 @!p0 $0x0  }
0x12: {  	s1 =	sld [smem:$0x3F92];
	s0 =	simm.s32 @p0 $0x1  }
0x13: {  	[smem:$0x3FAD] =	sst s0;
	s0 =	simm.s32 @!p1 $0x0  }
0x14: {  	s2 =	sld [smem:$0x3F91];
	s0 =	simm.s32 @p1 $0x1  }
0x15: {  	[smem:$0x3FAE] =	sst s0;
	s0 =	simm.s32 @!p2 $0x0  }
0x16: {  	s3 =	sld [smem:$0x3FDB];
	s0 =	simm.s32 @p2 $0x1  }
0x17: {  	s4 =	simm.s32 $0x1BF5;
	[smem:$0x3FB0] =	sst s0  }
0x18: {  	s0 =	sld [smem:$0x3F93];
	_ =	swait.ge [sflag:s4], $0x0  }
0x19: {  	s7 =	sld [smem:$0x3F94]  }
0x1a: {  	s8 =	sadd.s32 $0xFFFFE003, lr  }
0x1b: {  	s9 =	sadd.s32 $0xFFFFFEF7, lr;
	s5 =	simm.s32 $0xFFFFFFFF;
	p2 =	slt.u32 s8, $0xFFFFF086  }
0x1c: {  	p1 =	slt.u32 s9, $0xF7A;
	s5 =	simm.s32 @!p2 $0x0  }
0x1d: {  	s5 =	simm.s32 @p1 $0x1;
	p0 =	seq.s32 s7, s2  }
0x1e: {  	s7 =	smul.u32 @!p0 $0xF7A, s2;
	p2 =	seq.s32 @!p0 s5, $0x0  }
0x1f: {  	s9 =	smul.u32 $0xF7A, s1;
	s8 =	simm.s32 @!p0 $0x1BF5;
	p2 =	por !p2, p0  }
0x20: {  	[sflag:s8] =	ssyncset.s32 @!p0 $0xFFFFF086;
	s6 =	sadd.s32 @!p0 s3, s7;
	s7 =	simm.s32 @!p0 $0x108  }
0x21: {  	s3 =	sadd.s32 s3, s9;
	s6 =	sadd.s32 @!p0 $0x88, s6;
	s7 =	simm.s32 @p2 $0x1082  }
0x22: {  	[simem:s7], [sflag:s8] =	dma.local @!p0 [hbm:s6], $0xF7A  }
0x23: {  	s9 =	sor.u32 $0xD0000000, s2;
	s6 =	simm.s32 $0x108;
	_ =	swait.ge @!p0 [sflag:s8], $0x0  }
0x24: {  	s3 =	sadd.s32 $0x88, s3;
	s6 =	simm.s32 @!p1 $0x1082;
	[sflag:s4] =	ssyncset.s32 $0xFFFFF086  }
0x25: {  	[simem:s6], [sflag:s4] =	dma.local [hbm:s3], $0xF7A  }
0x26: {  	[smem:$0x3F94] =	sst s1;
	(tag) =	ssettag s2;
	_ =	strace s9  }
0x27: {  	s1 =	sld [smem:$0x3FA4]  }
0x28: {  	s2 =	sld [smem:$0x3FA5]  }
0x29: {  	s4 =	sld [smem:$0x3FA7]  }
0x2a: {  	p0 =	seq.s32 s5, $0x0;
	s5 =	sld [smem:$0x3FA8]  }
0x2b: {  	s6 =	sld [smem:$0x3FA9]  }
0x2c: {  	s7 =	sld [smem:$0x3FAA]  }
0x2d: {  	s3 =	simm.s32 $0x108;
	s8 =	sld [smem:$0x3FAB]  }
0x2e: {  	s3 =	simm.s32 @!p0 $0x1082;
	s9 =	sld [smem:$0x3FAC]  }
0x2f: {  	lr =	sadd.s32 s0, s3;
	s0 =	sld [smem:$0x3FA3]  }
0x30: {  	s3 =	sld [smem:$0x3FA6]  }
0x31: {  	[smem:$0x3FAF] =	sst s10  }
0x32: {  	s10 =	sld [smem:$0x3FAD];
	_ =	sdelay $0x3  }
0x33: {  	p0 =	seq.s32 s10, $0x1;
	s10 =	sld [smem:$0x3FAF];
	_ =	sdelay $0x3  }
0x34: {  	[smem:$0x3FAF] =	sst s10  }
0x35: {  	s10 =	sld [smem:$0x3FAE];
	_ =	sdelay $0x3  }
0x36: {  	p1 =	seq.s32 s10, $0x1;
	s10 =	sld [smem:$0x3FAF];
	_ =	sdelay $0x3  }
0x37: {  	[smem:$0x3FAF] =	sst s10  }
0x38: {  	s10 =	sld [smem:$0x3FB0]  }
0x39: {  	_ = 	snop;
	(pc) =	sbr.ind lr, $3  }
0x3a: {  	_ = 	snop  }
0x3b: {  	_ = 	snop  }
0x3c: {  	p2 =	seq.s32 s10, $0x1;
	s10 =	sld [smem:$0x3FAF]  }
0x3d: {  	_ =	shalt  }
0x3e: {  	_ =	shalt  }
0x3f: {  	_ =	shalt  }
0x40: {  	_ =	shalt  }
0x41: {  	_ =	shalt  }
0x42: {  	_ =	shalt  }
0x43: {  	_ =	shalt  }
0x44: {  	_ =	shalt  }
0x45: {  	_ =	shalt  }
0x46: {  	_ =	shalt  }
0x47: {  	_ =	shalt  }
0x48: {  	_ =	shalt  }
0x49: {  	_ =	shalt  }
0x4a: {  	_ =	shalt  }
0x4b: {  	_ =	shalt  }
0x4c: {  	_ =	shalt  }
0x4d: {  	_ =	shalt  }
0x4e: {  	_ =	shalt  }
0x4f: {  	_ =	shalt  }
0x50: {  	_ =	shalt  }
0x51: {  	_ =	shalt  }
0x52: {  	_ =	shalt  }
0x53: {  	_ =	shalt  }
0x54: {  	_ =	shalt  }
0x55: {  	_ =	shalt  }
0x56: {  	_ =	shalt  }
0x57: {  	_ =	shalt  }
0x58: {  	_ =	shalt  }
0x59: {  	_ =	shalt  }
0x5a: {  	_ =	shalt  }
0x5b: {  	_ =	shalt  }
0x5c: {  	_ =	shalt  }
0x5d: {  	_ =	shalt  }
0x5e: {  	_ =	shalt  }
0x5f: {  	_ =	shalt  }
0x60: {  	_ =	shalt  }
0x61: {  	_ =	shalt  }
0x62: {  	_ =	shalt  }
0x63: {  	_ =	shalt  }
0x64: {  	_ =	shalt  }
0x65: {  	_ =	shalt  }
0x66: {  	_ =	shalt  }
0x67: {  	_ =	shalt  }
0x68: {  	_ =	shalt  }
0x69: {  	_ =	shalt  }
0x6a: {  	_ =	shalt  }
0x6b: {  	_ =	shalt  }
0x6c: {  	_ =	shalt  }
0x6d: {  	_ =	shalt  }
0x6e: {  	_ =	shalt  }
0x6f: {  	_ =	shalt  }
0x70: {  	_ =	shalt  }
0x71: {  	_ =	shalt  }
0x72: {  	_ =	shalt  }
0x73: {  	_ =	shalt  }
0x74: {  	_ =	shalt  }
0x75: {  	_ =	shalt  }
0x76: {  	_ =	shalt  }
0x77: {  	_ =	shalt  }
0x78: {  	_ =	shalt  }
0x79: {  	_ =	shalt  }
0x7a: {  	_ =	shalt  }
0x7b: {  	_ =	shalt  }
0x7c: {  	_ =	shalt  }
0x7d: {  	_ =	shalt  }
0x7e: {  	_ =	shalt  }
0x7f: {  	_ =	shalt  }
0x80: {  	_ =	shalt  }
0x81: {  	_ =	shalt  }
0x82: {  	_ =	shalt  }
0x83: {  	_ =	shalt  }
0x84: {  	_ =	shalt  }
0x85: {  	_ =	shalt  }
0x86: {  	_ =	shalt  }
0x87: {  	_ =	shalt  }
.Lfunc_end0:
.L_simem_size_0:
called_computation.2_lowered:
.L_overlay_start_0:
0x88: {  	s2 =	sld [smem:$0x3FD9]  }
0x89: {  	s3 =	sld [smem:$0x3FFE];
	_ =	sdelay $0x1  }
0x8a: {  	s1 =	srdreg.scid  }
0x8b: {  	s0 =	sand.u32 $0x1, s1  }
0x8c: {  	s16 =	sshll.u32 s0, $0xA;
	s2 =	sadd.s32 s3, s2  }
0x8d: {  	s2 =	sadd.s32 s2, s16  }
0x8e: {  	[smem:$0x3FBB] =	sst s2  }
0x8f: {  	_ = 	snop  }
0x90: {  	(tm) =	ssettm $0x1  }
0x91: {  	s17 =	sld [smem:$0x3FFB];
	_ =	sdelay $0x3  }
0x92: {  	_ =	strace s17  }
0x93: {  	s2 =	sld [smem:$0x3FFC];
	_ =	sdelay $0x3  }
0x94: {  	_ =	strace s2  }
0x95: {  	s2 =	sld [smem:$0x3FFD];
	_ =	sdelay $0x3  }
0x96: {  	_ =	strace s2  }
0x97: {  	_ =	strace $0x8FFFFFFF  }
0x98: {  	s18 =	sld [smem:$0x3FDB];
	_ =	sdelay $0x1  }
0x99: {  	s19 =	simm.s32 $_scs_section_size  }
0x9a: {  	s4 =	simm.s32 $_size__tile_overlayer_lowered;
	s5 =	simm.s32 $_tile_overlayer_lowered  }
0x9b: {  	s22 =	simm.s32 $0x1BFF;
	s21 =	sshll.u32 s5, $0x1;
	s2 =	sadd.s32 s19, s18  }
0x9c: {  	s6 =	simm.s32 $0x0;
	s20 =	sshll.u32 s4, $0x1;
	s4 =	sadd.s32 s21, s2  }
0x9d: {  	[timem:s6], [sflag:s22] =	dma.local [hbm:s4], s20  }
0x9e: {  	_ =	swait.ge [sflag:s22], s20  }
0x9f: {  	s3 =	ssub.s32 $0x0, s20;
	[sflag:s22] =	ssyncset.done $0x0  }
0xa0: {  	[sflag:s22] =	ssyncadd.s32 s3;
	_ =	sdelay $0x1  }
0xa1: {  	s23 =	simm.s32 $0x1B8B  }
0xa2: {  	_ =	swait.ge [sflag:s23], $0x1  }
0xa3: {  	[sflag:s23] =	ssyncset.done $0x0  }
0xa4: {  	s25 =	simm.s32 $0x1B8E;
	s24 =	sld [smem:$0x3FFE];
	[sflag:s23] =	ssyncadd.s32 $0xFFFFFFFF  }
0xa5: {  	s26 =	simm.s32 $execute0_lowered;
	[smem:$0x3FD2] =	sst s25  }
0xa6: {  	s4 =	sshll.u32 s26, $0x1;
	_ =	strace $0x8000004C;
	[dreg:$0x1] =	wrdreg $0xFFFFFFFF  }
0xa7: {  	s28 =	simm.s32 $_size_execute0_lowered;
	s2 =	sadd.s32 s2, s4;
	[dreg:$0x0] =	wrdreg $0x0  }
0xa8: {  	s4 =	sshll.u32 s28, $0x1;
	[dreg:$0x2] =	wrdreg s2  }
0xa9: {  	[dreg:$0x3] =	wrdreg s4  }
0xaa: {  	[dreg:$0x4] =	wrdreg $0xC0  }
0xab: {  	_ =	task [dreg:s6], $0x5FFFF  }
0xac: {  	[dreg:$0x1] =	wrdreg $0xFFFFFFFF  }
0xad: {  	[dreg:$0x0] =	wrdreg $0x60  }
0xae: {  	[dreg:$0x2] =	wrdreg s24  }
0xaf: {  	[dreg:$0x3] =	wrdreg $0x41000  }
0xb0: {  	[dreg:$0x4] =	wrdreg $0x9  }
0xb1: {  	_ =	task.clear_ibuf [dreg:s6], $0x5FFFF;
	_ =	strace $0x9000004C  }
0xb2: {  	s29 =	simm.s32 $0x9;
	_ =	strace $0x8000004E  }
0xb3: {  	_ =	swait.ge [sflag:s29], $0x1  }
0xb4: {  	[sflag:s29] =	ssyncadd.s32 $0xFFFFFFFF  }
0xb5: {  	_ =	strace $0x9000004E  }
0xb6: {  	_ =	sfence  }
0xb7: {  	s30 =	sld [smem:$0x0];
	_ =	sdelay $0x2  }
0xb8: {  	s31 =	sshll.u32 s1, $0xD;
	s1 =	sshrl.u32 s1, $0x2  }
0xb9: {  	s3 =	sand.u32 $0x4000, s31;
	s1 =	sadd.s32 s1, s30  }
0xba: {  	s0 =	sor.u32 s3, s0;
	s1 =	sshll.u32 s1, $0x11  }
0xbb: {  	s0 =	sor.u32 s1, s0  }
0xbc: {  	s0 =	sadd.s32 $0x8F2B, s0  }
0xbd: {  	[sflag:s0] =	ssyncadd.remote.s32 $0x1  }
0xbe: {  	_ =	sfence.sel $0xFFFF  }
0xbf: {  	[dreg:$0x0] =	wrdreg $0xFFFFFFFF;
	(pc) =	sbr.abs _section_cstart, $3  }
0xc0: {  	[dreg:$0x1] =	wrdreg $0xFFFFFFFF  }
0xc1: {  	_ =	task.clear_ibuf [dreg:s6], $0x2FFFF;
	_ =	strace $0x9FFFFFFF  }
0xc2: {  	(tm) =	ssettm $0x7FFFFFFF  }
0xc3: {  	_ =	shalt  }
tec
execute0_lowered:
.L_overlay_start_1:
0x0: {  	(tag) =	ssettag $0x1  }
0x1: {  	s7 =	rddreg [dreg:$0x0];
	s0 =	srdreg.scid  }
0x2: {  	s1 =	rddreg [dreg:$0x1];
	s2 =	simm.s32 $0x0;
	s17 =	simm.s32 $0x80  }
0x3: {  	s18 =	simm.s32 $0x100;
	s9 =	sand.u32 $0x1, s0;
	s0 =	rddreg [dreg:$0x2]  }
0x4: {  	s19 =	simm.s32 $0x1;
	s21 =	simm.s32 $0x0;
	[smem:$0x7FF] =	sst s2  }
0x5: {  	s4 =	sadd.s32 $0x1BC00, s7;
	s5 =	sadd.s32 $0x19400, s7;
	s3 =	smul.u32 $0x4F00, s9  }
0x6: {  	s6 =	sadd.s32 $0x6A000, s7;
	s20 =	sadd.s32 $0x138000, s1;
	_ =	strace $0x8000004D  }
0x7: {  	s8 =	ssub.s32 $0x2, s9;
	s12 =	sadd.s32 s3, s7;
	s3 =	stileid.u32  }
0x8: {  	p0 =	seq.s32 s9, $0x1;
	s10 =	sshrl.u32 s8, $0x1;
	s11 =	smul.u32 $0x4E000, s3  }
0x9: {  	s7 =	sadd.s32 $0x91200, s7;
	s13 =	ssub.s32 s8, s10;
	s30 =	smul.u32 $0x2700, s3  }
0xa: {  	s29 =	sshll.u32 s3, $0x6;
	s15 =	smul.u32 $0x4F0, s3;
	p1 =	sne.s32 s3, $0xF  }
.Ltmp0:
0xb: {  	p2 =	seq.s32 s3, $0xF;
	s8 =	sor.u32 $0x1C02, s29;
	(pc) =	sbr.rel .LBB2_1-.Ltmp0, $4  }
0xc: {  	s16 =	sshrl.u32 @!p1 s20, $0x3;
	s20 =	sshrl.u32 s20, $0x3;
	s28 =	sshrl.u32 s11, $0x2  }
0xd: {  	s9 =	sadd.s32 s6, s30;
	s10 =	sadd.s32 s7, s30;
	s11 =	smax.u32 s13, $0x1  }
0xe: {  	s31 =	sadd.s32 s15, s12;
	s15 =	simm.s32 $0x2;
	s14 =	sadd.s32 s28, s1  }
0xf: {  	s12 =	sadd.s32 $0xF600, s31;
	s13 =	sadd.s32 $0x5800, s31;
	s14 =	sshrl.u32 s14, $0x3  }
.LBB2_6:
0x10: {  	s22 =	sadd.s32 $0x27000, s22  }
0x11: {  	[hbm:s22], [sflag:s8] =	dma.local [spmem:s20], $0x100  }
0x12: {  	_ =	swait.ge [sflag:s15], $0x100  }
0x13: {  	[sflag:s15] =	ssyncset.done $0x0  }
0x14: {  	[sflag:s15] =	ssyncadd.s32 $0xFFFFFF00  }
.LBB2_7:
0x15: {  	s21 =	sadd.s32 $0x1, s21  }
0x16: {  	p3 =	sne.s32 s21, s11  }
.Ltmp1:
0x17: {  	_ = 	snop;
	(pc) =	sbr.rel @!p3 .LBB2_8-.Ltmp1, $1  }
0x18: {  	_ =	sdelay $0x3  }
.LBB2_1:
0x19: {  	[spmem:s14], [sflag:s8] =	dma.local [hbm:s5], $0x2700  }
0x1a: {  	_ =	swait.ge [sflag:s15], $0x2700  }
0x1b: {  	[sflag:s15] =	ssyncset.done $0x0  }
0x1c: {  	s22 =	simm.s32 @!p1 $0x2;
	[sflag:s15] =	ssyncadd.s32 $0xFFFFD900  }
0x1d: {  	[spmem:s16], [sflag:s8] =	dma.local @!p1 [hbm:s5], $0x100  }
0x1e: {  	_ =	swait.ge @!p1 [sflag:s22], $0x100  }
0x1f: {  	[sflag:s22] =	ssyncset.done @!p1 $0x0  }
0x20: {  	[sflag:s22] =	ssyncadd.s32 @!p1 $0xFFFFFF00  }
0x21: {  	s30 =	sadd.s32 $0x0, s12;
	[bflag:$0x0] =	sbarrier.arrive $0xFFFF  }
0x22: {  	[tilespmem:s2], [sflag:$0x2] =	stream.linear.gather [hbm4b:s30+s2], $0x80, $0x38;
	[tilespmem:$0x179C0] =	vst v63  }
0x23: {  	_ =	swait.ge [sflag:s15], $0x80  }
0x24: {  	[sflag:s15] =	ssyncset.done $0x0  }
0x25: {  	s31 =	sadd.s32 $0x0, s13;
	[sflag:s15] =	ssyncadd.s32 $0xFFFFFF80  }
0x26: {  	[tilespmem:s17], [sflag:$0x2] =	stream.linear.gather [hbm4b:s31+s2], $0x80, $0x38;
	[tilespmem:$0x179C0] =	vst v63  }
0x27: {  	_ =	swait.ge [sflag:s15], $0x80  }
0x28: {  	[sflag:s15] =	ssyncset.done $0x0  }
0x29: {  	[sflag:s15] =	ssyncadd.s32 $0xFFFFFF80  }
0x2a: {  	[tilespmem:s18], [sflag:$0x1] =	stream.indirect.gather [hbm4b:s4+s17], $0x80, s2, s17, $0xb8;
	[tilespmem:$0x179C0] =	vst v63  }
0x2b: {  	_ =	swait.ge [sflag:s19], $0x4000  }
0x2c: {  	[sflag:s19] =	ssyncset.done $0x0  }
0x2d: {  	[sflag:s19] =	ssyncadd.s32 $0xFFFFC000  }
0x2e: {  	[spmem:s1] =	stream.indirect.scatter.add.f32 [tilespmem:s18], [sflag:$0x2], $0x80, s17, s17, $0xb8;
	[tilespmem:$0x179C0] =	vst v63  }
0x2f: {  	_ =	swait.ge [sflag:s15], $0x4000  }
0x30: {  	s23 =	simm.s32 $0x20;
	s22 =	simm.s32 $0x10;
	[sflag:s15] =	ssyncset.done $0x0  }
.LBB2_2:
0x31: {  	s24 =	sadd.s32 s22, s12  }
0x32: {  	[sflag:s15] =	ssyncadd.s32 $0xFFFFC000;
	s25 =	smov.u32 s23;
	s26 =	sadd.s32 $0x10, s23  }
0x33: {  	[tilespmem:s2], [sflag:$0x2] =	stream.linear.gather [hbm4b:s24+s2], $0x80, $0x38;
	[tilespmem:$0x179C0] =	vst v63  }
0x34: {  	p3 =	sne.s32 s23, $0x4E0;
	_ =	swait.ge [sflag:s15], $0x80  }
0x35: {  	[sflag:s15] =	ssyncset.done $0x0  }
0x36: {  	s23 =	sadd.s32 s22, s13;
	s22 =	smov.u32 s25;
	[sflag:s15] =	ssyncadd.s32 $0xFFFFFF80  }
0x37: {  	[tilespmem:s17], [sflag:$0x2] =	stream.linear.gather [hbm4b:s23+s2], $0x80, $0x38;
	[tilespmem:$0x179C0] =	vst v63  }
0x38: {  	_ =	swait.ge [sflag:s15], $0x80  }
0x39: {  	[sflag:s15] =	ssyncset.done $0x0  }
0x3a: {  	[sflag:s15] =	ssyncadd.s32 $0xFFFFFF80  }
0x3b: {  	[tilespmem:s18], [sflag:$0x1] =	stream.indirect.gather [hbm4b:s4+s17], $0x80, s2, s17, $0xb8;
	[tilespmem:$0x179C0] =	vst v63  }
0x3c: {  	_ =	swait.ge [sflag:s19], $0x4000  }
.Ltmp2:
0x3d: {  	[sflag:s19] =	ssyncset.done $0x0;
	(pc) =	sbr.rel @p3 .LBB2_2-.Ltmp2, $4  }
0x3e: {  	[sflag:s19] =	ssyncadd.s32 $0xFFFFC000  }
0x3f: {  	[spmem:s1] =	stream.indirect.scatter.add.f32 [tilespmem:s18], [sflag:$0x2], $0x80, s17, s17, $0xb8;
	[tilespmem:$0x179C0] =	vst v63  }
0x40: {  	_ =	swait.ge [sflag:s15], $0x4000  }
0x41: {  	s23 =	smov.u32 s26;
	[sflag:s15] =	ssyncset.done $0x0  }
0x42: {  	s23 =	sadd.s32 s22, s12;
	[sflag:s15] =	ssyncadd.s32 $0xFFFFC000  }
0x43: {  	[tilespmem:s2], [sflag:$0x2] =	stream.linear.gather [hbm4b:s23+s2], $0x80, $0x38;
	[tilespmem:$0x179C0] =	vst v63  }
0x44: {  	_ =	swait.ge [sflag:s15], $0x80  }
0x45: {  	[sflag:s15] =	ssyncset.done $0x0  }
0x46: {  	s31 =	sadd.s32 s22, s13;
	[sflag:s15] =	ssyncadd.s32 $0xFFFFFF80  }
0x47: {  	[tilespmem:s17], [sflag:$0x2] =	stream.linear.gather [hbm4b:s31+s2], $0x80, $0x38;
	[tilespmem:$0x179C0] =	vst v63  }
0x48: {  	_ =	swait.ge [sflag:s15], $0x80  }
0x49: {  	[sflag:s15] =	ssyncset.done $0x0  }
0x4a: {  	[sflag:s15] =	ssyncadd.s32 $0xFFFFFF80  }
0x4b: {  	[tilespmem:s18], [sflag:$0x1] =	stream.indirect.gather [hbm4b:s4+s17], $0x80, s2, s17, $0xb8;
	[tilespmem:$0x179C0] =	vst v63  }
0x4c: {  	_ =	swait.ge [sflag:s19], $0x4000  }
0x4d: {  	[sflag:s19] =	ssyncset.done $0x0  }
0x4e: {  	[sflag:s19] =	ssyncadd.s32 $0xFFFFC000  }
0x4f: {  	[spmem:s1] =	stream.indirect.scatter.add.f32 [tilespmem:s18], [sflag:$0x2], $0x80, s17, s17, $0xb8;
	[tilespmem:$0x179C0] =	vst v63  }
.Ltmp3:
0x50: {  	_ =	swait.ge [sflag:s15], $0x4000;
	(pc) =	sbr.rel @!p0 .LBB2_4-.Ltmp3, $3  }
0x51: {  	[sflag:s15] =	ssyncset.done $0x0  }
0x52: {  	[sflag:s15] =	ssyncadd.s32 $0xFFFFC000  }
0x53: {  	[bflag:$0x0] =	sbarrier.arrive $0xFFFF;
	_ =	sdelay $0x1  }
0x54: {  	[hbm:s10], [sflag:s8] =	dma.local [spmem:s14], $0x2700  }
.Ltmp4:
0x55: {  	_ = 	snop;
	(pc) =	sbr.rel @p1 .LBB2_7-.Ltmp4, $4  }
.Ltmp5:
0x56: {  	_ = 	snop;
	(pc) =	sbr.rel @!p1 .LBB2_6-.Ltmp5, $4  }
0x57: {  	_ =	swait.ge [sflag:s15], $0x2700  }
0x58: {  	[sflag:s15] =	ssyncset.done $0x0  }
0x59: {  	s22 =	smov.u32 s7;
	[sflag:s15] =	ssyncadd.s32 $0xFFFFD900  }
0x5a: {  	_ = 	snop  }
.LBB2_4:
0x5b: {  	[hbm:s9], [sflag:s8] =	dma.local [spmem:s14], $0x2700  }
.Ltmp6:
0x5c: {  	_ = 	snop;
	(pc) =	sbr.rel @p2 .LBB2_6-.Ltmp6, $4  }
.Ltmp7:
0x5d: {  	_ = 	snop;
	(pc) =	sbr.rel @!p2 .LBB2_7-.Ltmp7, $4  }
0x5e: {  	_ =	swait.ge [sflag:s15], $0x2700  }
0x5f: {  	[sflag:s15] =	ssyncset.done $0x0  }
0x60: {  	s22 =	smov.u32 s6;
	[sflag:s15] =	ssyncadd.s32 $0xFFFFD900  }
0x61: {  	_ = 	snop  }
.LBB2_8:
0x62: {  	_ =	sfence.sel $0x180000  }
0x63: {  	[bflag:$0x0] =	sbarrier.arrive $0xFFFF  }
0x64: {  	p0 =	sne.s32 s3, $0x0;
	_ =	strace $0x9000004D  }
0x65: {  	s0 =	sadd.s32 @!p0 $0x100000, s0;
	[bflag:$0x2] =	sbarrier.arrive $0xFFFF  }
0x66: {  	[sflag:s0] =	ssyncadd.tile.s32 @!p0 $0x1;
	_ =	shalt  }
.Lfunc_end2:
_tile_overlayer_lowered:
.L_overlay_start_2:
0x67: {  	(tag) =	ssettag $0x2  }
0x68: {  	s0 =	rddreg [dreg:$0x0];
	s2 =	stileid.u32  }
0x69: {  	s1 =	rddreg [dreg:$0x1];
	p0 =	sne.s32 s2, $0x0  }
0x6a: {  	s3 =	rddreg [dreg:$0x2];
	[bflag:$0x3] =	sbarrier.arrive $0xFFFF;
	s2 =	simm.s32 @!p0 $0x1C02  }
0x6b: {  	[timem:s3], [sflag:s2] =	dma.local @!p0 [hbm:s0], s1  }
0x6c: {  	s0 =	simm.s32 @!p0 $0x2  }
0x6d: {  	_ =	swait.ge @!p0 [sflag:s0], s1  }
0x6e: {  	s1 =	ssub.s32 @!p0 $0x0, s1;
	[sflag:s0] =	ssyncset.done @!p0 $0x0  }
0x6f: {  	[sflag:s0] =	ssyncadd.s32 @!p0 s1  }
0x70: {  	[bflag:$0x3] =	sbarrier.arrive $0xFFFF  }
0x71: {  	_ =	shalt  }

</sc_bundles>
